<compile_context>
chip_gen: v7x
topology: tpu7x:2x2x1
jax: 0.10.2.dev20260603
libtpu: 0.0.44.dev20260713+nightly
codegen_flags: <defaults>
</compile_context>

<pallas_src>
import functools

import jax
import jax.numpy as jnp
from jax import lax
from jax.experimental import pallas as pl
from jax.experimental.pallas import tpu as pltpu
from jax.experimental.pallas import tpu_sc as plsc

B, S, H, L = 4, 2048, 1024, 256

NC, NS = 2, 16
BATCH_PER_CORE = B // NC
SUB_PER_BATCH = NS // BATCH_PER_CORE
TOK_PER_TILE = S // SUB_PER_BATCH
CH = 32
NCHUNK = TOK_PER_TILE // CH

_mesh = plsc.VectorSubcoreMesh(core_axis_name="c", subcore_axis_name="s")


def _proj_body(ids_ref, x_ref, w_ref, b_ref, o_ref):
    ids_row = ids_ref[0]
    iota_l = lax.broadcasted_iota(jnp.int32, (L, S), 0)
    onehot = (iota_l == ids_row).astype(jnp.float32)
    cell = lax.dot_general(
        onehot,
        x_ref[0],
        (((1,), (0,)), ((), ())),
        preferred_element_type=jnp.float32,
    )
    y = lax.dot_general(
        cell,
        w_ref[...],
        (((1,), (1,)), ((), ())),
        preferred_element_type=jnp.float32,
    )
    y = y + b_ref[...]
    o_ref[0] = y * 0.5 * (1.0 + lax.erf(y * (2.0 ** -0.5)))


def _segment_projection(ids, hid, W, bias):
    return pl.pallas_call(
        _proj_body,
        grid=(B,),
        in_specs=[
            pl.BlockSpec((1, 1, S), lambda i: (i, 0, 0)),
            pl.BlockSpec((1, S, H), lambda i: (i, 0, 0)),
            pl.BlockSpec((H, H), lambda i: (0, 0)),
            pl.BlockSpec((1, H), lambda i: (0, 0)),
        ],
        out_specs=pl.BlockSpec((1, L, H), lambda i: (i, 0, 0)),
        out_shape=jax.ShapeDtypeStruct((B, L, H), jnp.float32),
    )(ids, hid, W, bias)


@functools.partial(
    pl.kernel,
    out_type=jax.ShapeDtypeStruct((B * S, H), jnp.float32),
    mesh=_mesh,
    scratch_types=[
        pltpu.VMEM((TOK_PER_TILE,), jnp.int32),
        pltpu.VMEM((NCHUNK, CH), jnp.int32),
        pltpu.VMEM((3, CH, H), jnp.float32),
        pltpu.SemaphoreType.DMA,
        pltpu.SemaphoreType.DMA,
        pltpu.SemaphoreType.DMA,
        pltpu.SemaphoreType.DMA,
        pltpu.SemaphoreType.DMA,
        pltpu.SemaphoreType.DMA,
    ],
)
def _gather_back(proj_hbm, ids_hbm, out_hbm, ids_v, idx2d, buf,
                 sem_g0, sem_g1, sem_g2, sem_w0, sem_w1, sem_w2):
    c = lax.axis_index("c")
    s = lax.axis_index("s")
    batch = c * BATCH_PER_CORE + s // SUB_PER_BATCH
    tok0 = (s % SUB_PER_BATCH) * TOK_PER_TILE
    base = batch * S + tok0

    pltpu.sync_copy(ids_hbm.at[pl.ds(base, TOK_PER_TILE)], ids_v)
    off = batch * L
    for j in range(NCHUNK):
        for k in range(CH // 16):
            idx2d[j, pl.ds(k * 16, 16)] = (
                ids_v[pl.ds(j * CH + k * 16, 16)] + off
            )

    sems_g = (sem_g0, sem_g1, sem_g2)
    sems_w = (sem_w0, sem_w1, sem_w2)
    g = [None] * NCHUNK
    w = [None] * NCHUNK

    def _drain(jj):
        g[jj].wait()
        w[jj] = pltpu.async_copy(
            buf.at[jj % 3], out_hbm.at[pl.ds(base + jj * CH, CH)],
            sems_w[jj % 3],
        )

    for j in range(NCHUNK):
        p = j % 3
        if j >= 3:
            w[j - 3].wait()
        g[j] = pltpu.async_copy(
            proj_hbm.at[idx2d.at[j]], buf.at[p], sems_g[p]
        )
        if j >= 2:
            _drain(j - 2)
    for jj in range(NCHUNK - 2, NCHUNK):
        _drain(jj)
    for jj in range(NCHUNK - 3, NCHUNK):
        w[jj].wait()


def kernel(hidden_sates, token_type_ids, max_length, W, b):
    del max_length
    ids = token_type_ids.astype(jnp.int32)
    proj = _segment_projection(
        ids.reshape(B, 1, S), hidden_sates, W, b.reshape(1, H)
    )
    out = _gather_back(proj.reshape(B * L, H), ids.reshape(B * S))
    return out.reshape(B, S, H)

# --- scband reference (transcript-rebuilt; emitter-appended) ---
"""Pipeline reference for scband-projection-layer-55327768707126 (READ-ONLY COPY).

The authoritative reference and input builder live on the scoring server;
editing this copy changes nothing except your own understanding.
"""

import jax, jax.numpy as jnp
import numpy as np

B, S, H, MAXLEN = 4, 2048, 1024, 256

def setup_inputs(seed: int = 0) -> dict:
    key = jax.random.key(seed)
    k1, k2, k3 = jax.random.split(key, 3)
    hidden_sates = jax.random.normal(k1, (B, S, H), dtype=jnp.float32)
    token_type_ids = jnp.sort(jax.random.randint(k2, (B, S), 0, MAXLEN), axis=-1)
    # learned params of nn.Linear(H, H)
    bound = 1.0 / np.sqrt(H)
    W = jax.random.uniform(k3, (H, H), dtype=jnp.float32, minval=-bound, maxval=bound)
    b = jnp.zeros((H,), dtype=jnp.float32)
    return {"hidden_sates": hidden_sates, "token_type_ids": token_type_ids, "max_length": MAXLEN, "W": W, "b": b}

def reference(hidden_sates, token_type_ids, max_length, W, b):
    # one-hot based segment aggregation (segment-sum over tokens sharing a token_type id)
    valid = (token_type_ids < max_length).astype(jnp.float32)                    # [B, S]
    one_hot_to = jax.nn.one_hot(token_type_ids, MAXLEN, dtype=jnp.float32)       # [B, S, L]
    one_hot_to = one_hot_to * valid[..., None]
    one_hot_from = jnp.transpose(one_hot_to, (0, 2, 1))                          # [B, L, S]
    cell_hidden = jnp.matmul(one_hot_from, hidden_sates)                         # [B, L, H] segment-sum
    cell_hidden = jax.nn.gelu(jnp.matmul(cell_hidden, W.T) + b, approximate=False)
    seq_hidden = jnp.matmul(one_hot_to, cell_hidden)                             # scatter back to tokens
    return seq_hidden

if __name__ == "__main__":
    import jax
    _d = setup_inputs()
    print(jax.jit(kernel)(*tuple(_d.values())))

</pallas_src>

<mosaic_0001>
#map = affine_map<(d0, d1) -> (0, 0)>
#map1 = affine_map<(d0, d1) -> (0)>
module attributes {stable_mosaic.version = 14 : i64} {
  func.func @_gather_back(%arg0: i32, %arg1: i32, %arg2: memref<1024x1024xf32, #tpu.memory_space<hbm>>, %arg3: memref<8192xi32, #tpu.memory_space<hbm>>, %arg4: memref<8192x1024xf32, #tpu.memory_space<hbm>>, %arg5: memref<256xi32, #tpu.memory_space<vmem>>, %arg6: memref<8x32xi32, #tpu.memory_space<vmem>>, %arg7: memref<3x32x1024xf32, #tpu.memory_space<vmem>>, %arg8: memref<!tpu.dma_semaphore, #tpu.memory_space<semaphore_mem>>, %arg9: memref<!tpu.dma_semaphore, #tpu.memory_space<semaphore_mem>>, %arg10: memref<!tpu.dma_semaphore, #tpu.memory_space<semaphore_mem>>, %arg11: memref<!tpu.dma_semaphore, #tpu.memory_space<semaphore_mem>>, %arg12: memref<!tpu.dma_semaphore, #tpu.memory_space<semaphore_mem>>, %arg13: memref<!tpu.dma_semaphore, #tpu.memory_space<semaphore_mem>>) attributes {dimension_semantics = [#tpu.dimension_semantics<core_parallel>, #tpu.dimension_semantics<subcore_parallel>], iteration_bounds = array<i64: 2, 16>, scalar_prefetch = 0 : i64, scratch_operands = 9 : i64, tpu.core_type = #tpu.core_type<sc_vector_subcore>, window_params = [{transform_indices = #map}, {transform_indices = #map1}, {transform_indices = #map}]} {
    %mul3A = arith.constant 2 : i32
    %mul3A_0 = arith.muli %arg0, %mul3A : i32
    %jit3A = arith.constant 8 : i32
    %div3A = arith.divsi %arg1, %jit3A : i32
    %sign3A = arith.constant 0 : i32
    %sign3A_1 = arith.cmpi sgt, %arg1, %sign3A : i32
    %sign3A_2 = arith.extui %sign3A_1 : i1 to i32
    %sign3A_3 = arith.constant 0 : i32
    %sign3A_4 = arith.cmpi slt, %arg1, %sign3A_3 : i32
    %sign3A_5 = arith.extui %sign3A_4 : i1 to i32
    %sign3A_6 = arith.subi %sign3A_2, %sign3A_5 : i32
    %sign3A_7 = arith.constant 0 : i32
    %sign3A_8 = arith.cmpi sgt, %jit3A, %sign3A_7 : i32
    %sign3A_9 = arith.extui %sign3A_8 : i1 to i32
    %sign3A_10 = arith.constant 0 : i32
    %sign3A_11 = arith.cmpi slt, %jit3A, %sign3A_10 : i32
    %sign3A_12 = arith.extui %sign3A_11 : i1 to i32
    %sign3A_13 = arith.subi %sign3A_9, %sign3A_12 : i32
    %ne3A = arith.cmpi ne, %sign3A_6, %sign3A_13 : i32
    %rem3A = arith.remsi %arg1, %jit3A : i32
    %ne3A_14 = arith.constant 0 : i32
    %ne3A_15 = arith.cmpi ne, %rem3A, %ne3A_14 : i32
    %and3A = arith.andi %ne3A, %ne3A_15 : i1
    %sub3A = arith.constant 1 : i32
    %sub3A_16 = arith.subi %div3A, %sub3A : i32
    %select_n3A = arith.select %and3A, %sub3A_16, %div3A : i32
    %add3A = arith.addi %mul3A_0, %select_n3A : i32
    %jit3A_17 = arith.constant 8 : i32
    %eq3A = arith.constant 0 : i32
    %eq3A_18 = arith.cmpi eq, %jit3A_17, %eq3A : i32
    %jit3A_19 = arith.constant 1 : i32
    %select_n3A_20 = arith.select %eq3A_18, %jit3A_19, %jit3A_17 : i32
    %rem3A_21 = arith.remsi %arg1, %select_n3A_20 : i32
    %ne3A_22 = arith.constant 0 : i32
    %ne3A_23 = arith.cmpi ne, %rem3A_21, %ne3A_22 : i32
    %lt3A = arith.constant 0 : i32
    %lt3A_24 = arith.cmpi slt, %rem3A_21, %lt3A : i32
    %lt3A_25 = arith.constant 0 : i32
    %lt3A_26 = arith.cmpi slt, %select_n3A_20, %lt3A_25 : i32
    %ne3A_27 = arith.xori %lt3A_24, %lt3A_26 : i1
    %and3A_28 = arith.andi %ne3A_27, %ne3A_23 : i1
    %add3A_29 = arith.addi %rem3A_21, %select_n3A_20 : i32
    %select_n3A_30 = arith.select %and3A_28, %add3A_29, %rem3A_21 : i32
    %mul3A_31 = arith.constant 256 : i32
    %mul3A_32 = arith.muli %select_n3A_30, %mul3A_31 : i32
    %mul3A_33 = arith.constant 2048 : i32
    %mul3A_34 = arith.muli %add3A, %mul3A_33 : i32
    %add3A_35 = arith.addi %mul3A_34, %mul3A_32 : i32
    "tpu.region"() ({
      %run_scoped3A = tpu.sem_alloc : memref<!tpu.dma_semaphore, #tpu.memory_space<semaphore_mem>>
      %dma_start3A_626 = tpu.memref_slice %arg3[%add3A_35] : memref<8192xi32, #tpu.memory_space<hbm>> -> memref<256xi32, #tpu.memory_space<hbm>>
      %dma_start3A_627 = tpu.memref_slice %arg3[%add3A_35] : memref<8192xi32, #tpu.memory_space<hbm>> -> memref<256xi32, #tpu.memory_space<hbm>>
      tpu.enqueue_dma source(%dma_start3A_627 : memref<256xi32, #tpu.memory_space<hbm>>) target(%arg5 : memref<256xi32, #tpu.memory_space<vmem>>) target_semaphore(%run_scoped3A : memref<!tpu.dma_semaphore, #tpu.memory_space<semaphore_mem>>)
      %dma_wait3A_628 = tpu.memref_slice %arg3[%add3A_35] : memref<8192xi32, #tpu.memory_space<hbm>> -> memref<256xi32, #tpu.memory_space<hbm>>
      %dma_wait3A_629 = tpu.memref_slice %arg3[%add3A_35] : memref<8192xi32, #tpu.memory_space<hbm>> -> memref<256xi32, #tpu.memory_space<hbm>>
      tpu.wait_dma2 semaphore(%run_scoped3A : memref<!tpu.dma_semaphore, #tpu.memory_space<semaphore_mem>>) src(%dma_wait3A_629 : memref<256xi32, #tpu.memory_space<hbm>>) dst(%arg5 : memref<256xi32, #tpu.memory_space<vmem>>)
      tpu.yield
    }) : () -> ()
    %mul3A_36 = arith.constant 256 : i32
    %mul3A_37 = arith.muli %add3A, %mul3A_36 : i32
    %get3A = arith.constant 0 : index
    %get3A_38 = tpu.vector_load %arg5[%get3A] {strides = array<i32>} : memref<256xi32, #tpu.memory_space<vmem>>, vector<16xi32>,
    %get3A_39 = vector.shape_cast %get3A_38 : vector<16xi32> to vector<16xi32>
    %add3A_40 = vector.broadcast %mul3A_37 : i32 to vector<16xi32>
    %add3A_41 = arith.addi %get3A_39, %add3A_40 : vector<16xi32>
    %swap3A = arith.constant 0 : i32
    %swap3A_42 = arith.index_cast %swap3A : i32 to index
    %swap3A_43 = arith.constant 0 : index
    %swap3A_44 = tpu.vector_load %arg6[%swap3A_42, %swap3A_43] {strides = array<i32>} : memref<8x32xi32, #tpu.memory_space<vmem>>, vector<1x16xi32>,
    %swap3A_45 = vector.shape_cast %swap3A_44 : vector<1x16xi32> to vector<16xi32>
    %swap3A_46 = vector.shape_cast %add3A_41 : vector<16xi32> to vector<1x16xi32>
    tpu.vector_store %arg6[%swap3A_42, %swap3A_43], %swap3A_46 {strides = array<i32>} : memref<8x32xi32, #tpu.memory_space<vmem>>, vector<1x16xi32>,
    %get3A_47 = arith.constant 16 : index
    %get3A_48 = tpu.vector_load %arg5[%get3A_47] {strides = array<i32>} : memref<256xi32, #tpu.memory_space<vmem>>, vector<16xi32>,
    %get3A_49 = vector.shape_cast %get3A_48 : vector<16xi32> to vector<16xi32>
    %add3A_50 = vector.broadcast %mul3A_37 : i32 to vector<16xi32>
    %add3A_51 = arith.addi %get3A_49, %add3A_50 : vector<16xi32>
    %swap3A_52 = arith.constant 0 : i32
    %swap3A_53 = arith.index_cast %swap3A_52 : i32 to index
    %swap3A_54 = arith.constant 16 : index
    %swap3A_55 = tpu.vector_load %arg6[%swap3A_53, %swap3A_54] {strides = array<i32>} : memref<8x32xi32, #tpu.memory_space<vmem>>, vector<1x16xi32>,
    %swap3A_56 = vector.shape_cast %swap3A_55 : vector<1x16xi32> to vector<16xi32>
    %swap3A_57 = vector.shape_cast %add3A_51 : vector<16xi32> to vector<1x16xi32>
    tpu.vector_store %arg6[%swap3A_53, %swap3A_54], %swap3A_57 {strides = array<i32>} : memref<8x32xi32, #tpu.memory_space<vmem>>, vector<1x16xi32>,
    %get3A_58 = arith.constant 32 : index
    %get3A_59 = tpu.vector_load %arg5[%get3A_58] {strides = array<i32>} : memref<256xi32, #tpu.memory_space<vmem>>, vector<16xi32>,
    %get3A_60 = vector.shape_cast %get3A_59 : vector<16xi32> to vector<16xi32>
    %add3A_61 = vector.broadcast %mul3A_37 : i32 to vector<16xi32>
    %add3A_62 = arith.addi %get3A_60, %add3A_61 : vector<16xi32>
    %swap3A_63 = arith.constant 1 : i32
    %swap3A_64 = arith.index_cast %swap3A_63 : i32 to index
    %swap3A_65 = arith.constant 0 : index
    %swap3A_66 = tpu.vector_load %arg6[%swap3A_64, %swap3A_65] {strides = array<i32>} : memref<8x32xi32, #tpu.memory_space<vmem>>, vector<1x16xi32>,
    %swap3A_67 = vector.shape_cast %swap3A_66 : vector<1x16xi32> to vector<16xi32>
    %swap3A_68 = vector.shape_cast %add3A_62 : vector<16xi32> to vector<1x16xi32>
    tpu.vector_store %arg6[%swap3A_64, %swap3A_65], %swap3A_68 {strides = array<i32>} : memref<8x32xi32, #tpu.memory_space<vmem>>, vector<1x16xi32>,
    %get3A_69 = arith.constant 48 : index
    %get3A_70 = tpu.vector_load %arg5[%get3A_69] {strides = array<i32>} : memref<256xi32, #tpu.memory_space<vmem>>, vector<16xi32>,
    %get3A_71 = vector.shape_cast %get3A_70 : vector<16xi32> to vector<16xi32>
    %add3A_72 = vector.broadcast %mul3A_37 : i32 to vector<16xi32>
    %add3A_73 = arith.addi %get3A_71, %add3A_72 : vector<16xi32>
    %swap3A_74 = arith.constant 1 : i32
    %swap3A_75 = arith.index_cast %swap3A_74 : i32 to index
    %swap3A_76 = arith.constant 16 : index
    %swap3A_77 = tpu.vector_load %arg6[%swap3A_75, %swap3A_76] {strides = array<i32>} : memref<8x32xi32, #tpu.memory_space<vmem>>, vector<1x16xi32>,
    %swap3A_78 = vector.shape_cast %swap3A_77 : vector<1x16xi32> to vector<16xi32>
    %swap3A_79 = vector.shape_cast %add3A_73 : vector<16xi32> to vector<1x16xi32>
    tpu.vector_store %arg6[%swap3A_75, %swap3A_76], %swap3A_79 {strides = array<i32>} : memref<8x32xi32, #tpu.memory_space<vmem>>, vector<1x16xi32>,
    %get3A_80 = arith.constant 64 : index
    %get3A_81 = tpu.vector_load %arg5[%get3A_80] {strides = array<i32>} : memref<256xi32, #tpu.memory_space<vmem>>, vector<16xi32>,
    %get3A_82 = vector.shape_cast %get3A_81 : vector<16xi32> to vector<16xi32>
    %add3A_83 = vector.broadcast %mul3A_37 : i32 to vector<16xi32>
    %add3A_84 = arith.addi %get3A_82, %add3A_83 : vector<16xi32>
    %swap3A_85 = arith.constant 2 : i32
    %swap3A_86 = arith.index_cast %swap3A_85 : i32 to index
    %swap3A_87 = arith.constant 0 : index
    %swap3A_88 = tpu.vector_load %arg6[%swap3A_86, %swap3A_87] {strides = array<i32>} : memref<8x32xi32, #tpu.memory_space<vmem>>, vector<1x16xi32>,
    %swap3A_89 = vector.shape_cast %swap3A_88 : vector<1x16xi32> to vector<16xi32>
    %swap3A_90 = vector.shape_cast %add3A_84 : vector<16xi32> to vector<1x16xi32>
    tpu.vector_store %arg6[%swap3A_86, %swap3A_87], %swap3A_90 {strides = array<i32>} : memref<8x32xi32, #tpu.memory_space<vmem>>, vector<1x16xi32>,
    %get3A_91 = arith.constant 80 : index
    %get3A_92 = tpu.vector_load %arg5[%get3A_91] {strides = array<i32>} : memref<256xi32, #tpu.memory_space<vmem>>, vector<16xi32>,
    %get3A_93 = vector.shape_cast %get3A_92 : vector<16xi32> to vector<16xi32>
    %add3A_94 = vector.broadcast %mul3A_37 : i32 to vector<16xi32>
    %add3A_95 = arith.addi %get3A_93, %add3A_94 : vector<16xi32>
    %swap3A_96 = arith.constant 2 : i32
    %swap3A_97 = arith.index_cast %swap3A_96 : i32 to index
    %swap3A_98 = arith.constant 16 : index
    %swap3A_99 = tpu.vector_load %arg6[%swap3A_97, %swap3A_98] {strides = array<i32>} : memref<8x32xi32, #tpu.memory_space<vmem>>, vector<1x16xi32>,
    %swap3A_100 = vector.shape_cast %swap3A_99 : vector<1x16xi32> to vector<16xi32>
    %swap3A_101 = vector.shape_cast %add3A_95 : vector<16xi32> to vector<1x16xi32>
    tpu.vector_store %arg6[%swap3A_97, %swap3A_98], %swap3A_101 {strides = array<i32>} : memref<8x32xi32, #tpu.memory_space<vmem>>, vector<1x16xi32>,
    %get3A_102 = arith.constant 96 : index
    %get3A_103 = tpu.vector_load %arg5[%get3A_102] {strides = array<i32>} : memref<256xi32, #tpu.memory_space<vmem>>, vector<16xi32>,
    %get3A_104 = vector.shape_cast %get3A_103 : vector<16xi32> to vector<16xi32>
    %add3A_105 = vector.broadcast %mul3A_37 : i32 to vector<16xi32>
    %add3A_106 = arith.addi %get3A_104, %add3A_105 : vector<16xi32>
    %swap3A_107 = arith.constant 3 : i32
    %swap3A_108 = arith.index_cast %swap3A_107 : i32 to index
    %swap3A_109 = arith.constant 0 : index
    %swap3A_110 = tpu.vector_load %arg6[%swap3A_108, %swap3A_109] {strides = array<i32>} : memref<8x32xi32, #tpu.memory_space<vmem>>, vector<1x16xi32>,
    %swap3A_111 = vector.shape_cast %swap3A_110 : vector<1x16xi32> to vector<16xi32>
    %swap3A_112 = vector.shape_cast %add3A_106 : vector<16xi32> to vector<1x16xi32>
    tpu.vector_store %arg6[%swap3A_108, %swap3A_109], %swap3A_112 {strides = array<i32>} : memref<8x32xi32, #tpu.memory_space<vmem>>, vector<1x16xi32>,
    %get3A_113 = arith.constant 112 : index
    %get3A_114 = tpu.vector_load %arg5[%get3A_113] {strides = array<i32>} : memref<256xi32, #tpu.memory_space<vmem>>, vector<16xi32>,
    %get3A_115 = vector.shape_cast %get3A_114 : vector<16xi32> to vector<16xi32>
    %add3A_116 = vector.broadcast %mul3A_37 : i32 to vector<16xi32>
    %add3A_117 = arith.addi %get3A_115, %add3A_116 : vector<16xi32>
    %swap3A_118 = arith.constant 3 : i32
    %swap3A_119 = arith.index_cast %swap3A_118 : i32 to index
    %swap3A_120 = arith.constant 16 : index
    %swap3A_121 = tpu.vector_load %arg6[%swap3A_119, %swap3A_120] {strides = array<i32>} : memref<8x32xi32, #tpu.memory_space<vmem>>, vector<1x16xi32>,
    %swap3A_122 = vector.shape_cast %swap3A_121 : vector<1x16xi32> to vector<16xi32>
    %swap3A_123 = vector.shape_cast %add3A_117 : vector<16xi32> to vector<1x16xi32>
    tpu.vector_store %arg6[%swap3A_119, %swap3A_120], %swap3A_123 {strides = array<i32>} : memref<8x32xi32, #tpu.memory_space<vmem>>, vector<1x16xi32>,
    %get3A_124 = arith.constant 128 : index
    %get3A_125 = tpu.vector_load %arg5[%get3A_124] {strides = array<i32>} : memref<256xi32, #tpu.memory_space<vmem>>, vector<16xi32>,
    %get3A_126 = vector.shape_cast %get3A_125 : vector<16xi32> to vector<16xi32>
    %add3A_127 = vector.broadcast %mul3A_37 : i32 to vector<16xi32>
    %add3A_128 = arith.addi %get3A_126, %add3A_127 : vector<16xi32>
    %swap3A_129 = arith.constant 4 : i32
    %swap3A_130 = arith.index_cast %swap3A_129 : i32 to index
    %swap3A_131 = arith.constant 0 : index
    %swap3A_132 = tpu.vector_load %arg6[%swap3A_130, %swap3A_131] {strides = array<i32>} : memref<8x32xi32, #tpu.memory_space<vmem>>, vector<1x16xi32>,
    %swap3A_133 = vector.shape_cast %swap3A_132 : vector<1x16xi32> to vector<16xi32>
    %swap3A_134 = vector.shape_cast %add3A_128 : vector<16xi32> to vector<1x16xi32>
    tpu.vector_store %arg6[%swap3A_130, %swap3A_131], %swap3A_134 {strides = array<i32>} : memref<8x32xi32, #tpu.memory_space<vmem>>, vector<1x16xi32>,
    %get3A_135 = arith.constant 144 : index
    %get3A_136 = tpu.vector_load %arg5[%get3A_135] {strides = array<i32>} : memref<256xi32, #tpu.memory_space<vmem>>, vector<16xi32>,
    %get3A_137 = vector.shape_cast %get3A_136 : vector<16xi32> to vector<16xi32>
    %add3A_138 = vector.broadcast %mul3A_37 : i32 to vector<16xi32>
    %add3A_139 = arith.addi %get3A_137, %add3A_138 : vector<16xi32>
    %swap3A_140 = arith.constant 4 : i32
    %swap3A_141 = arith.index_cast %swap3A_140 : i32 to index
    %swap3A_142 = arith.constant 16 : index
    %swap3A_143 = tpu.vector_load %arg6[%swap3A_141, %swap3A_142] {strides = array<i32>} : memref<8x32xi32, #tpu.memory_space<vmem>>, vector<1x16xi32>,
    %swap3A_144 = vector.shape_cast %swap3A_143 : vector<1x16xi32> to vector<16xi32>
    %swap3A_145 = vector.shape_cast %add3A_139 : vector<16xi32> to vector<1x16xi32>
    tpu.vector_store %arg6[%swap3A_141, %swap3A_142], %swap3A_145 {strides = array<i32>} : memref<8x32xi32, #tpu.memory_space<vmem>>, vector<1x16xi32>,
    %get3A_146 = arith.constant 160 : index
    %get3A_147 = tpu.vector_load %arg5[%get3A_146] {strides = array<i32>} : memref<256xi32, #tpu.memory_space<vmem>>, vector<16xi32>,
    %get3A_148 = vector.shape_cast %get3A_147 : vector<16xi32> to vector<16xi32>
    %add3A_149 = vector.broadcast %mul3A_37 : i32 to vector<16xi32>
    %add3A_150 = arith.addi %get3A_148, %add3A_149 : vector<16xi32>
    %swap3A_151 = arith.constant 5 : i32
    %swap3A_152 = arith.index_cast %swap3A_151 : i32 to index
    %swap3A_153 = arith.constant 0 : index
    %swap3A_154 = tpu.vector_load %arg6[%swap3A_152, %swap3A_153] {strides = array<i32>} : memref<8x32xi32, #tpu.memory_space<vmem>>, vector<1x16xi32>,
    %swap3A_155 = vector.shape_cast %swap3A_154 : vector<1x16xi32> to vector<16xi32>
    %swap3A_156 = vector.shape_cast %add3A_150 : vector<16xi32> to vector<1x16xi32>
    tpu.vector_store %arg6[%swap3A_152, %swap3A_153], %swap3A_156 {strides = array<i32>} : memref<8x32xi32, #tpu.memory_space<vmem>>, vector<1x16xi32>,
    %get3A_157 = arith.constant 176 : index
    %get3A_158 = tpu.vector_load %arg5[%get3A_157] {strides = array<i32>} : memref<256xi32, #tpu.memory_space<vmem>>, vector<16xi32>,
    %get3A_159 = vector.shape_cast %get3A_158 : vector<16xi32> to vector<16xi32>
    %add3A_160 = vector.broadcast %mul3A_37 : i32 to vector<16xi32>
    %add3A_161 = arith.addi %get3A_159, %add3A_160 : vector<16xi32>
    %swap3A_162 = arith.constant 5 : i32
    %swap3A_163 = arith.index_cast %swap3A_162 : i32 to index
    %swap3A_164 = arith.constant 16 : index
    %swap3A_165 = tpu.vector_load %arg6[%swap3A_163, %swap3A_164] {strides = array<i32>} : memref<8x32xi32, #tpu.memory_space<vmem>>, vector<1x16xi32>,
    %swap3A_166 = vector.shape_cast %swap3A_165 : vector<1x16xi32> to vector<16xi32>
    %swap3A_167 = vector.shape_cast %add3A_161 : vector<16xi32> to vector<1x16xi32>
    tpu.vector_store %arg6[%swap3A_163, %swap3A_164], %swap3A_167 {strides = array<i32>} : memref<8x32xi32, #tpu.memory_space<vmem>>, vector<1x16xi32>,
    %get3A_168 = arith.constant 192 : index
    %get3A_169 = tpu.vector_load %arg5[%get3A_168] {strides = array<i32>} : memref<256xi32, #tpu.memory_space<vmem>>, vector<16xi32>,
    %get3A_170 = vector.shape_cast %get3A_169 : vector<16xi32> to vector<16xi32>
    %add3A_171 = vector.broadcast %mul3A_37 : i32 to vector<16xi32>
    %add3A_172 = arith.addi %get3A_170, %add3A_171 : vector<16xi32>
    %swap3A_173 = arith.constant 6 : i32
    %swap3A_174 = arith.index_cast %swap3A_173 : i32 to index
    %swap3A_175 = arith.constant 0 : index
    %swap3A_176 = tpu.vector_load %arg6[%swap3A_174, %swap3A_175] {strides = array<i32>} : memref<8x32xi32, #tpu.memory_space<vmem>>, vector<1x16xi32>,
    %swap3A_177 = vector.shape_cast %swap3A_176 : vector<1x16xi32> to vector<16xi32>
    %swap3A_178 = vector.shape_cast %add3A_172 : vector<16xi32> to vector<1x16xi32>
    tpu.vector_store %arg6[%swap3A_174, %swap3A_175], %swap3A_178 {strides = array<i32>} : memref<8x32xi32, #tpu.memory_space<vmem>>, vector<1x16xi32>,
    %get3A_179 = arith.constant 208 : index
    %get3A_180 = tpu.vector_load %arg5[%get3A_179] {strides = array<i32>} : memref<256xi32, #tpu.memory_space<vmem>>, vector<16xi32>,
    %get3A_181 = vector.shape_cast %get3A_180 : vector<16xi32> to vector<16xi32>
    %add3A_182 = vector.broadcast %mul3A_37 : i32 to vector<16xi32>
    %add3A_183 = arith.addi %get3A_181, %add3A_182 : vector<16xi32>
    %swap3A_184 = arith.constant 6 : i32
    %swap3A_185 = arith.index_cast %swap3A_184 : i32 to index
    %swap3A_186 = arith.constant 16 : index
    %swap3A_187 = tpu.vector_load %arg6[%swap3A_185, %swap3A_186] {strides = array<i32>} : memref<8x32xi32, #tpu.memory_space<vmem>>, vector<1x16xi32>,
    %swap3A_188 = vector.shape_cast %swap3A_187 : vector<1x16xi32> to vector<16xi32>
    %swap3A_189 = vector.shape_cast %add3A_183 : vector<16xi32> to vector<1x16xi32>
    tpu.vector_store %arg6[%swap3A_185, %swap3A_186], %swap3A_189 {strides = array<i32>} : memref<8x32xi32, #tpu.memory_space<vmem>>, vector<1x16xi32>,
    %get3A_190 = arith.constant 224 : index
    %get3A_191 = tpu.vector_load %arg5[%get3A_190] {strides = array<i32>} : memref<256xi32, #tpu.memory_space<vmem>>, vector<16xi32>,
    %get3A_192 = vector.shape_cast %get3A_191 : vector<16xi32> to vector<16xi32>
    %add3A_193 = vector.broadcast %mul3A_37 : i32 to vector<16xi32>
    %add3A_194 = arith.addi %get3A_192, %add3A_193 : vector<16xi32>
    %swap3A_195 = arith.constant 7 : i32
    %swap3A_196 = arith.index_cast %swap3A_195 : i32 to index
    %swap3A_197 = arith.constant 0 : index
    %swap3A_198 = tpu.vector_load %arg6[%swap3A_196, %swap3A_197] {strides = array<i32>} : memref<8x32xi32, #tpu.memory_space<vmem>>, vector<1x16xi32>,
    %swap3A_199 = vector.shape_cast %swap3A_198 : vector<1x16xi32> to vector<16xi32>
    %swap3A_200 = vector.shape_cast %add3A_194 : vector<16xi32> to vector<1x16xi32>
    tpu.vector_store %arg6[%swap3A_196, %swap3A_197], %swap3A_200 {strides = array<i32>} : memref<8x32xi32, #tpu.memory_space<vmem>>, vector<1x16xi32>,
    %get3A_201 = arith.constant 240 : index
    %get3A_202 = tpu.vector_load %arg5[%get3A_201] {strides = array<i32>} : memref<256xi32, #tpu.memory_space<vmem>>, vector<16xi32>,
    %get3A_203 = vector.shape_cast %get3A_202 : vector<16xi32> to vector<16xi32>
    %add3A_204 = vector.broadcast %mul3A_37 : i32 to vector<16xi32>
    %add3A_205 = arith.addi %get3A_203, %add3A_204 : vector<16xi32>
    %swap3A_206 = arith.constant 7 : i32
    %swap3A_207 = arith.index_cast %swap3A_206 : i32 to index
    %swap3A_208 = arith.constant 16 : index
    %swap3A_209 = tpu.vector_load %arg6[%swap3A_207, %swap3A_208] {strides = array<i32>} : memref<8x32xi32, #tpu.memory_space<vmem>>, vector<1x16xi32>,
    %swap3A_210 = vector.shape_cast %swap3A_209 : vector<1x16xi32> to vector<16xi32>
    %swap3A_211 = vector.shape_cast %add3A_205 : vector<16xi32> to vector<1x16xi32>
    tpu.vector_store %arg6[%swap3A_207, %swap3A_208], %swap3A_211 {strides = array<i32>} : memref<8x32xi32, #tpu.memory_space<vmem>>, vector<1x16xi32>,
    %dma_start3A = arith.constant 0 : i32
    %dma_start3A_212 = arith.constant 0 : i32
    %dma_start3A_213 = arith.constant 0 : i32
    %dma_start3A_214 = arith.constant 0 : i32
    %dma_start3A_215 = tpu.memref_slice %arg7[%dma_start3A_212, %dma_start3A_213, %dma_start3A_214] : memref<3x32x1024xf32, #tpu.memory_space<vmem>> -> memref<1x32x1024xf32, #tpu.memory_space<vmem>>
    %dma_start3A_216 = tpu.memref_squeeze %dma_start3A_215 : memref<1x32x1024xf32, #tpu.memory_space<vmem>> -> memref<32x1024xf32, #tpu.memory_space<vmem>>
    %dma_start3A_217 = arith.constant 0 : i32
    %dma_start3A_218 = tpu.memref_slice %arg6[%dma_start3A, %dma_start3A_217] : memref<8x32xi32, #tpu.memory_space<vmem>> -> memref<1x32xi32, #tpu.memory_space<vmem>>
    %dma_start3A_219 = tpu.memref_squeeze %dma_start3A_218 : memref<1x32xi32, #tpu.memory_space<vmem>> -> memref<32xi32, #tpu.memory_space<vmem>>
    %dma_start3A_220 = arith.constant 0 : i32
    %dma_start3A_221 = arith.constant 0 : i32
    %dma_start3A_222 = tpu.memref_slice %arg2[%dma_start3A_220, %dma_start3A_221] : memref<1024x1024xf32, #tpu.memory_space<hbm>> -> memref<1024x1024xf32, #tpu.memory_space<hbm>>
    tpu.enqueue_indirect_dma source(%dma_start3A_222 : memref<1024x1024xf32, #tpu.memory_space<hbm>>) target(%dma_start3A_216 : memref<32x1024xf32, #tpu.memory_space<vmem>>) offsets(%dma_start3A_219 : memref<32xi32, #tpu.memory_space<vmem>>) semaphore(%arg8 : memref<!tpu.dma_semaphore, #tpu.memory_space<semaphore_mem>>)
    %dma_start3A_223 = arith.constant 1 : i32
    %dma_start3A_224 = arith.constant 1 : i32
    %dma_start3A_225 = arith.constant 0 : i32
    %dma_start3A_226 = arith.constant 0 : i32
    %dma_start3A_227 = tpu.memref_slice %arg7[%dma_start3A_224, %dma_start3A_225, %dma_start3A_226] : memref<3x32x1024xf32, #tpu.memory_space<vmem>> -> memref<1x32x1024xf32, #tpu.memory_space<vmem>>
    %dma_start3A_228 = tpu.memref_squeeze %dma_start3A_227 : memref<1x32x1024xf32, #tpu.memory_space<vmem>> -> memref<32x1024xf32, #tpu.memory_space<vmem>>
    %dma_start3A_229 = arith.constant 0 : i32
    %dma_start3A_230 = tpu.memref_slice %arg6[%dma_start3A_223, %dma_start3A_229] : memref<8x32xi32, #tpu.memory_space<vmem>> -> memref<1x32xi32, #tpu.memory_space<vmem>>
    %dma_start3A_231 = tpu.memref_squeeze %dma_start3A_230 : memref<1x32xi32, #tpu.memory_space<vmem>> -> memref<32xi32, #tpu.memory_space<vmem>>
    %dma_start3A_232 = arith.constant 0 : i32
    %dma_start3A_233 = arith.constant 0 : i32
    %dma_start3A_234 = tpu.memref_slice %arg2[%dma_start3A_232, %dma_start3A_233] : memref<1024x1024xf32, #tpu.memory_space<hbm>> -> memref<1024x1024xf32, #tpu.memory_space<hbm>>
    tpu.enqueue_indirect_dma source(%dma_start3A_234 : memref<1024x1024xf32, #tpu.memory_space<hbm>>) target(%dma_start3A_228 : memref<32x1024xf32, #tpu.memory_space<vmem>>) offsets(%dma_start3A_231 : memref<32xi32, #tpu.memory_space<vmem>>) semaphore(%arg9 : memref<!tpu.dma_semaphore, #tpu.memory_space<semaphore_mem>>)
    %dma_start3A_235 = arith.constant 2 : i32
    %dma_start3A_236 = arith.constant 2 : i32
    %dma_start3A_237 = arith.constant 0 : i32
    %dma_start3A_238 = arith.constant 0 : i32
    %dma_start3A_239 = tpu.memref_slice %arg7[%dma_start3A_236, %dma_start3A_237, %dma_start3A_238] : memref<3x32x1024xf32, #tpu.memory_space<vmem>> -> memref<1x32x1024xf32, #tpu.memory_space<vmem>>
    %dma_start3A_240 = tpu.memref_squeeze %dma_start3A_239 : memref<1x32x1024xf32, #tpu.memory_space<vmem>> -> memref<32x1024xf32, #tpu.memory_space<vmem>>
    %dma_start3A_241 = arith.constant 0 : i32
    %dma_start3A_242 = tpu.memref_slice %arg6[%dma_start3A_235, %dma_start3A_241] : memref<8x32xi32, #tpu.memory_space<vmem>> -> memref<1x32xi32, #tpu.memory_space<vmem>>
    %dma_start3A_243 = tpu.memref_squeeze %dma_start3A_242 : memref<1x32xi32, #tpu.memory_space<vmem>> -> memref<32xi32, #tpu.memory_space<vmem>>
    %dma_start3A_244 = arith.constant 0 : i32
    %dma_start3A_245 = arith.constant 0 : i32
    %dma_start3A_246 = tpu.memref_slice %arg2[%dma_start3A_244, %dma_start3A_245] : memref<1024x1024xf32, #tpu.memory_space<hbm>> -> memref<1024x1024xf32, #tpu.memory_space<hbm>>
    tpu.enqueue_indirect_dma source(%dma_start3A_246 : memref<1024x1024xf32, #tpu.memory_space<hbm>>) target(%dma_start3A_240 : memref<32x1024xf32, #tpu.memory_space<vmem>>) offsets(%dma_start3A_243 : memref<32xi32, #tpu.memory_space<vmem>>) semaphore(%arg10 : memref<!tpu.dma_semaphore, #tpu.memory_space<semaphore_mem>>)
    %dma_wait3A = arith.constant 0 : i32
    %dma_wait3A_247 = arith.constant 0 : i32
    %dma_wait3A_248 = arith.constant 0 : i32
    %dma_wait3A_249 = arith.constant 0 : i32
    %dma_wait3A_250 = tpu.memref_slice %arg7[%dma_wait3A_247, %dma_wait3A_248, %dma_wait3A_249] : memref<3x32x1024xf32, #tpu.memory_space<vmem>> -> memref<1x32x1024xf32, #tpu.memory_space<vmem>>
    %dma_wait3A_251 = tpu.memref_squeeze %dma_wait3A_250 : memref<1x32x1024xf32, #tpu.memory_space<vmem>> -> memref<32x1024xf32, #tpu.memory_space<vmem>>
    %dma_wait3A_252 = arith.constant 0 : i32
    %dma_wait3A_253 = tpu.memref_slice %arg6[%dma_wait3A, %dma_wait3A_252] : memref<8x32xi32, #tpu.memory_space<vmem>> -> memref<1x32xi32, #tpu.memory_space<vmem>>
    %dma_wait3A_254 = tpu.memref_squeeze %dma_wait3A_253 : memref<1x32xi32, #tpu.memory_space<vmem>> -> memref<32xi32, #tpu.memory_space<vmem>>
    %dma_wait3A_255 = arith.constant 0 : i32
    %dma_wait3A_256 = arith.constant 0 : i32
    %dma_wait3A_257 = tpu.memref_slice %arg2[%dma_wait3A_255, %dma_wait3A_256] : memref<1024x1024xf32, #tpu.memory_space<hbm>> -> memref<1024x1024xf32, #tpu.memory_space<hbm>>
    tpu.wait_indirect_dma semaphore(%arg8 : memref<!tpu.dma_semaphore, #tpu.memory_space<semaphore_mem>>) src(%dma_wait3A_257 : memref<1024x1024xf32, #tpu.memory_space<hbm>>) dst(%dma_wait3A_251 : memref<32x1024xf32, #tpu.memory_space<vmem>>)
    %add3A_258 = arith.constant 0 : i32
    %add3A_259 = arith.addi %add3A_35, %add3A_258 : i32
    %dma_start3A_260 = arith.constant 0 : i32
    %dma_start3A_261 = arith.constant 0 : i32
    %dma_start3A_262 = arith.constant 0 : i32
    %dma_start3A_263 = tpu.memref_slice %arg7[%dma_start3A_260, %dma_start3A_261, %dma_start3A_262] : memref<3x32x1024xf32, #tpu.memory_space<vmem>> -> memref<1x32x1024xf32, #tpu.memory_space<vmem>>
    %dma_start3A_264 = tpu.memref_squeeze %dma_start3A_263 : memref<1x32x1024xf32, #tpu.memory_space<vmem>> -> memref<32x1024xf32, #tpu.memory_space<vmem>>
    %dma_start3A_265 = arith.constant 0 : i32
    %dma_start3A_266 = tpu.memref_slice %arg4[%add3A_259, %dma_start3A_265] : memref<8192x1024xf32, #tpu.memory_space<hbm>> -> memref<32x1024xf32, #tpu.memory_space<hbm>>
    %dma_start3A_267 = arith.constant 0 : i32
    %dma_start3A_268 = tpu.memref_slice %arg4[%add3A_259, %dma_start3A_267] : memref<8192x1024xf32, #tpu.memory_space<hbm>> -> memref<32x1024xf32, #tpu.memory_space<hbm>>
    %dma_start3A_269 = arith.constant 0 : i32
    %dma_start3A_270 = arith.constant 0 : i32
    %dma_start3A_271 = tpu.memref_slice %arg7[%dma_start3A_260, %dma_start3A_269, %dma_start3A_270] : memref<3x32x1024xf32, #tpu.memory_space<vmem>> -> memref<1x32x1024xf32, #tpu.memory_space<vmem>>
    %dma_start3A_272 = tpu.memref_squeeze %dma_start3A_271 : memref<1x32x1024xf32, #tpu.memory_space<vmem>> -> memref<32x1024xf32, #tpu.memory_space<vmem>>
    tpu.enqueue_dma source(%dma_start3A_272 : memref<32x1024xf32, #tpu.memory_space<vmem>>) target(%dma_start3A_268 : memref<32x1024xf32, #tpu.memory_space<hbm>>) target_semaphore(%arg11 : memref<!tpu.dma_semaphore, #tpu.memory_space<semaphore_mem>>)
    %dma_wait3A_273 = arith.constant 0 : i32
    %dma_wait3A_274 = arith.constant 0 : i32
    %dma_wait3A_275 = arith.constant 0 : i32
    %dma_wait3A_276 = tpu.memref_slice %arg7[%dma_wait3A_273, %dma_wait3A_274, %dma_wait3A_275] : memref<3x32x1024xf32, #tpu.memory_space<vmem>> -> memref<1x32x1024xf32, #tpu.memory_space<vmem>>
    %dma_wait3A_277 = tpu.memref_squeeze %dma_wait3A_276 : memref<1x32x1024xf32, #tpu.memory_space<vmem>> -> memref<32x1024xf32, #tpu.memory_space<vmem>>
    %dma_wait3A_278 = arith.constant 0 : i32
    %dma_wait3A_279 = tpu.memref_slice %arg4[%add3A_259, %dma_wait3A_278] : memref<8192x1024xf32, #tpu.memory_space<hbm>> -> memref<32x1024xf32, #tpu.memory_space<hbm>>
    %dma_wait3A_280 = arith.constant 0 : i32
    %dma_wait3A_281 = tpu.memref_slice %arg4[%add3A_259, %dma_wait3A_280] : memref<8192x1024xf32, #tpu.memory_space<hbm>> -> memref<32x1024xf32, #tpu.memory_space<hbm>>
    %dma_wait3A_282 = arith.constant 0 : i32
    %dma_wait3A_283 = arith.constant 0 : i32
    %dma_wait3A_284 = tpu.memref_slice %arg7[%dma_wait3A_273, %dma_wait3A_282, %dma_wait3A_283] : memref<3x32x1024xf32, #tpu.memory_space<vmem>> -> memref<1x32x1024xf32, #tpu.memory_space<vmem>>
    %dma_wait3A_285 = tpu.memref_squeeze %dma_wait3A_284 : memref<1x32x1024xf32, #tpu.memory_space<vmem>> -> memref<32x1024xf32, #tpu.memory_space<vmem>>
    tpu.wait_dma2 semaphore(%arg11 : memref<!tpu.dma_semaphore, #tpu.memory_space<semaphore_mem>>) src(%dma_wait3A_285 : memref<32x1024xf32, #tpu.memory_space<vmem>>) dst(%dma_wait3A_281 : memref<32x1024xf32, #tpu.memory_space<hbm>>)
    %dma_start3A_286 = arith.constant 3 : i32
    %dma_start3A_287 = arith.constant 0 : i32
    %dma_start3A_288 = arith.constant 0 : i32
    %dma_start3A_289 = arith.constant 0 : i32
    %dma_start3A_290 = tpu.memref_slice %arg7[%dma_start3A_287, %dma_start3A_288, %dma_start3A_289] : memref<3x32x1024xf32, #tpu.memory_space<vmem>> -> memref<1x32x1024xf32, #tpu.memory_space<vmem>>
    %dma_start3A_291 = tpu.memref_squeeze %dma_start3A_290 : memref<1x32x1024xf32, #tpu.memory_space<vmem>> -> memref<32x1024xf32, #tpu.memory_space<vmem>>
    %dma_start3A_292 = arith.constant 0 : i32
    %dma_start3A_293 = tpu.memref_slice %arg6[%dma_start3A_286, %dma_start3A_292] : memref<8x32xi32, #tpu.memory_space<vmem>> -> memref<1x32xi32, #tpu.memory_space<vmem>>
    %dma_start3A_294 = tpu.memref_squeeze %dma_start3A_293 : memref<1x32xi32, #tpu.memory_space<vmem>> -> memref<32xi32, #tpu.memory_space<vmem>>
    %dma_start3A_295 = arith.constant 0 : i32
    %dma_start3A_296 = arith.constant 0 : i32
    %dma_start3A_297 = tpu.memref_slice %arg2[%dma_start3A_295, %dma_start3A_296] : memref<1024x1024xf32, #tpu.memory_space<hbm>> -> memref<1024x1024xf32, #tpu.memory_space<hbm>>
    tpu.enqueue_indirect_dma source(%dma_start3A_297 : memref<1024x1024xf32, #tpu.memory_space<hbm>>) target(%dma_start3A_291 : memref<32x1024xf32, #tpu.memory_space<vmem>>) offsets(%dma_start3A_294 : memref<32xi32, #tpu.memory_space<vmem>>) semaphore(%arg8 : memref<!tpu.dma_semaphore, #tpu.memory_space<semaphore_mem>>)
    %dma_wait3A_298 = arith.constant 1 : i32
    %dma_wait3A_299 = arith.constant 1 : i32
    %dma_wait3A_300 = arith.constant 0 : i32
    %dma_wait3A_301 = arith.constant 0 : i32
    %dma_wait3A_302 = tpu.memref_slice %arg7[%dma_wait3A_299, %dma_wait3A_300, %dma_wait3A_301] : memref<3x32x1024xf32, #tpu.memory_space<vmem>> -> memref<1x32x1024xf32, #tpu.memory_space<vmem>>
    %dma_wait3A_303 = tpu.memref_squeeze %dma_wait3A_302 : memref<1x32x1024xf32, #tpu.memory_space<vmem>> -> memref<32x1024xf32, #tpu.memory_space<vmem>>
    %dma_wait3A_304 = arith.constant 0 : i32
    %dma_wait3A_305 = tpu.memref_slice %arg6[%dma_wait3A_298, %dma_wait3A_304] : memref<8x32xi32, #tpu.memory_space<vmem>> -> memref<1x32xi32, #tpu.memory_space<vmem>>
    %dma_wait3A_306 = tpu.memref_squeeze %dma_wait3A_305 : memref<1x32xi32, #tpu.memory_space<vmem>> -> memref<32xi32, #tpu.memory_space<vmem>>
    %dma_wait3A_307 = arith.constant 0 : i32
    %dma_wait3A_308 = arith.constant 0 : i32
    %dma_wait3A_309 = tpu.memref_slice %arg2[%dma_wait3A_307, %dma_wait3A_308] : memref<1024x1024xf32, #tpu.memory_space<hbm>> -> memref<1024x1024xf32, #tpu.memory_space<hbm>>
    tpu.wait_indirect_dma semaphore(%arg9 : memref<!tpu.dma_semaphore, #tpu.memory_space<semaphore_mem>>) src(%dma_wait3A_309 : memref<1024x1024xf32, #tpu.memory_space<hbm>>) dst(%dma_wait3A_303 : memref<32x1024xf32, #tpu.memory_space<vmem>>)
    %add3A_310 = arith.constant 32 : i32
    %add3A_311 = arith.addi %add3A_35, %add3A_310 : i32
    %dma_start3A_312 = arith.constant 1 : i32
    %dma_start3A_313 = arith.constant 0 : i32
    %dma_start3A_314 = arith.constant 0 : i32
    %dma_start3A_315 = tpu.memref_slice %arg7[%dma_start3A_312, %dma_start3A_313, %dma_start3A_314] : memref<3x32x1024xf32, #tpu.memory_space<vmem>> -> memref<1x32x1024xf32, #tpu.memory_space<vmem>>
    %dma_start3A_316 = tpu.memref_squeeze %dma_start3A_315 : memref<1x32x1024xf32, #tpu.memory_space<vmem>> -> memref<32x1024xf32, #tpu.memory_space<vmem>>
    %dma_start3A_317 = arith.constant 0 : i32
    %dma_start3A_318 = tpu.memref_slice %arg4[%add3A_311, %dma_start3A_317] : memref<8192x1024xf32, #tpu.memory_space<hbm>> -> memref<32x1024xf32, #tpu.memory_space<hbm>>
    %dma_start3A_319 = arith.constant 0 : i32
    %dma_start3A_320 = tpu.memref_slice %arg4[%add3A_311, %dma_start3A_319] : memref<8192x1024xf32, #tpu.memory_space<hbm>> -> memref<32x1024xf32, #tpu.memory_space<hbm>>
    %dma_start3A_321 = arith.constant 0 : i32
    %dma_start3A_322 = arith.constant 0 : i32
    %dma_start3A_323 = tpu.memref_slice %arg7[%dma_start3A_312, %dma_start3A_321, %dma_start3A_322] : memref<3x32x1024xf32, #tpu.memory_space<vmem>> -> memref<1x32x1024xf32, #tpu.memory_space<vmem>>
    %dma_start3A_324 = tpu.memref_squeeze %dma_start3A_323 : memref<1x32x1024xf32, #tpu.memory_space<vmem>> -> memref<32x1024xf32, #tpu.memory_space<vmem>>
    tpu.enqueue_dma source(%dma_start3A_324 : memref<32x1024xf32, #tpu.memory_space<vmem>>) target(%dma_start3A_320 : memref<32x1024xf32, #tpu.memory_space<hbm>>) target_semaphore(%arg12 : memref<!tpu.dma_semaphore, #tpu.memory_space<semaphore_mem>>)
    %dma_wait3A_325 = arith.constant 1 : i32
    %dma_wait3A_326 = arith.constant 0 : i32
    %dma_wait3A_327 = arith.constant 0 : i32
    %dma_wait3A_328 = tpu.memref_slice %arg7[%dma_wait3A_325, %dma_wait3A_326, %dma_wait3A_327] : memref<3x32x1024xf32, #tpu.memory_space<vmem>> -> memref<1x32x1024xf32, #tpu.memory_space<vmem>>
    %dma_wait3A_329 = tpu.memref_squeeze %dma_wait3A_328 : memref<1x32x1024xf32, #tpu.memory_space<vmem>> -> memref<32x1024xf32, #tpu.memory_space<vmem>>
    %dma_wait3A_330 = arith.constant 0 : i32
    %dma_wait3A_331 = tpu.memref_slice %arg4[%add3A_311, %dma_wait3A_330] : memref<8192x1024xf32, #tpu.memory_space<hbm>> -> memref<32x1024xf32, #tpu.memory_space<hbm>>
    %dma_wait3A_332 = arith.constant 0 : i32
    %dma_wait3A_333 = tpu.memref_slice %arg4[%add3A_311, %dma_wait3A_332] : memref<8192x1024xf32, #tpu.memory_space<hbm>> -> memref<32x1024xf32, #tpu.memory_space<hbm>>
    %dma_wait3A_334 = arith.constant 0 : i32
    %dma_wait3A_335 = arith.constant 0 : i32
    %dma_wait3A_336 = tpu.memref_slice %arg7[%dma_wait3A_325, %dma_wait3A_334, %dma_wait3A_335] : memref<3x32x1024xf32, #tpu.memory_space<vmem>> -> memref<1x32x1024xf32, #tpu.memory_space<vmem>>
    %dma_wait3A_337 = tpu.memref_squeeze %dma_wait3A_336 : memref<1x32x1024xf32, #tpu.memory_space<vmem>> -> memref<32x1024xf32, #tpu.memory_space<vmem>>
    tpu.wait_dma2 semaphore(%arg12 : memref<!tpu.dma_semaphore, #tpu.memory_space<semaphore_mem>>) src(%dma_wait3A_337 : memref<32x1024xf32, #tpu.memory_space<vmem>>) dst(%dma_wait3A_333 : memref<32x1024xf32, #tpu.memory_space<hbm>>)
    %dma_start3A_338 = arith.constant 4 : i32
    %dma_start3A_339 = arith.constant 1 : i32
    %dma_start3A_340 = arith.constant 0 : i32
    %dma_start3A_341 = arith.constant 0 : i32
    %dma_start3A_342 = tpu.memref_slice %arg7[%dma_start3A_339, %dma_start3A_340, %dma_start3A_341] : memref<3x32x1024xf32, #tpu.memory_space<vmem>> -> memref<1x32x1024xf32, #tpu.memory_space<vmem>>
    %dma_start3A_343 = tpu.memref_squeeze %dma_start3A_342 : memref<1x32x1024xf32, #tpu.memory_space<vmem>> -> memref<32x1024xf32, #tpu.memory_space<vmem>>
    %dma_start3A_344 = arith.constant 0 : i32
    %dma_start3A_345 = tpu.memref_slice %arg6[%dma_start3A_338, %dma_start3A_344] : memref<8x32xi32, #tpu.memory_space<vmem>> -> memref<1x32xi32, #tpu.memory_space<vmem>>
    %dma_start3A_346 = tpu.memref_squeeze %dma_start3A_345 : memref<1x32xi32, #tpu.memory_space<vmem>> -> memref<32xi32, #tpu.memory_space<vmem>>
    %dma_start3A_347 = arith.constant 0 : i32
    %dma_start3A_348 = arith.constant 0 : i32
    %dma_start3A_349 = tpu.memref_slice %arg2[%dma_start3A_347, %dma_start3A_348] : memref<1024x1024xf32, #tpu.memory_space<hbm>> -> memref<1024x1024xf32, #tpu.memory_space<hbm>>
    tpu.enqueue_indirect_dma source(%dma_start3A_349 : memref<1024x1024xf32, #tpu.memory_space<hbm>>) target(%dma_start3A_343 : memref<32x1024xf32, #tpu.memory_space<vmem>>) offsets(%dma_start3A_346 : memref<32xi32, #tpu.memory_space<vmem>>) semaphore(%arg9 : memref<!tpu.dma_semaphore, #tpu.memory_space<semaphore_mem>>)
    %dma_wait3A_350 = arith.constant 2 : i32
    %dma_wait3A_351 = arith.constant 2 : i32
    %dma_wait3A_352 = arith.constant 0 : i32
    %dma_wait3A_353 = arith.constant 0 : i32
    %dma_wait3A_354 = tpu.memref_slice %arg7[%dma_wait3A_351, %dma_wait3A_352, %dma_wait3A_353] : memref<3x32x1024xf32, #tpu.memory_space<vmem>> -> memref<1x32x1024xf32, #tpu.memory_space<vmem>>
    %dma_wait3A_355 = tpu.memref_squeeze %dma_wait3A_354 : memref<1x32x1024xf32, #tpu.memory_space<vmem>> -> memref<32x1024xf32, #tpu.memory_space<vmem>>
    %dma_wait3A_356 = arith.constant 0 : i32
    %dma_wait3A_357 = tpu.memref_slice %arg6[%dma_wait3A_350, %dma_wait3A_356] : memref<8x32xi32, #tpu.memory_space<vmem>> -> memref<1x32xi32, #tpu.memory_space<vmem>>
    %dma_wait3A_358 = tpu.memref_squeeze %dma_wait3A_357 : memref<1x32xi32, #tpu.memory_space<vmem>> -> memref<32xi32, #tpu.memory_space<vmem>>
    %dma_wait3A_359 = arith.constant 0 : i32
    %dma_wait3A_360 = arith.constant 0 : i32
    %dma_wait3A_361 = tpu.memref_slice %arg2[%dma_wait3A_359, %dma_wait3A_360] : memref<1024x1024xf32, #tpu.memory_space<hbm>> -> memref<1024x1024xf32, #tpu.memory_space<hbm>>
    tpu.wait_indirect_dma semaphore(%arg10 : memref<!tpu.dma_semaphore, #tpu.memory_space<semaphore_mem>>) src(%dma_wait3A_361 : memref<1024x1024xf32, #tpu.memory_space<hbm>>) dst(%dma_wait3A_355 : memref<32x1024xf32, #tpu.memory_space<vmem>>)
    %add3A_362 = arith.constant 64 : i32
    %add3A_363 = arith.addi %add3A_35, %add3A_362 : i32
    %dma_start3A_364 = arith.constant 2 : i32
    %dma_start3A_365 = arith.constant 0 : i32
    %dma_start3A_366 = arith.constant 0 : i32
    %dma_start3A_367 = tpu.memref_slice %arg7[%dma_start3A_364, %dma_start3A_365, %dma_start3A_366] : memref<3x32x1024xf32, #tpu.memory_space<vmem>> -> memref<1x32x1024xf32, #tpu.memory_space<vmem>>
    %dma_start3A_368 = tpu.memref_squeeze %dma_start3A_367 : memref<1x32x1024xf32, #tpu.memory_space<vmem>> -> memref<32x1024xf32, #tpu.memory_space<vmem>>
    %dma_start3A_369 = arith.constant 0 : i32
    %dma_start3A_370 = tpu.memref_slice %arg4[%add3A_363, %dma_start3A_369] : memref<8192x1024xf32, #tpu.memory_space<hbm>> -> memref<32x1024xf32, #tpu.memory_space<hbm>>
    %dma_start3A_371 = arith.constant 0 : i32
    %dma_start3A_372 = tpu.memref_slice %arg4[%add3A_363, %dma_start3A_371] : memref<8192x1024xf32, #tpu.memory_space<hbm>> -> memref<32x1024xf32, #tpu.memory_space<hbm>>
    %dma_start3A_373 = arith.constant 0 : i32
    %dma_start3A_374 = arith.constant 0 : i32
    %dma_start3A_375 = tpu.memref_slice %arg7[%dma_start3A_364, %dma_start3A_373, %dma_start3A_374] : memref<3x32x1024xf32, #tpu.memory_space<vmem>> -> memref<1x32x1024xf32, #tpu.memory_space<vmem>>
    %dma_start3A_376 = tpu.memref_squeeze %dma_start3A_375 : memref<1x32x1024xf32, #tpu.memory_space<vmem>> -> memref<32x1024xf32, #tpu.memory_space<vmem>>
    tpu.enqueue_dma source(%dma_start3A_376 : memref<32x1024xf32, #tpu.memory_space<vmem>>) target(%dma_start3A_372 : memref<32x1024xf32, #tpu.memory_space<hbm>>) target_semaphore(%arg13 : memref<!tpu.dma_semaphore, #tpu.memory_space<semaphore_mem>>)
    %dma_wait3A_377 = arith.constant 2 : i32
    %dma_wait3A_378 = arith.constant 0 : i32
    %dma_wait3A_379 = arith.constant 0 : i32
    %dma_wait3A_380 = tpu.memref_slice %arg7[%dma_wait3A_377, %dma_wait3A_378, %dma_wait3A_379] : memref<3x32x1024xf32, #tpu.memory_space<vmem>> -> memref<1x32x1024xf32, #tpu.memory_space<vmem>>
    %dma_wait3A_381 = tpu.memref_squeeze %dma_wait3A_380 : memref<1x32x1024xf32, #tpu.memory_space<vmem>> -> memref<32x1024xf32, #tpu.memory_space<vmem>>
    %dma_wait3A_382 = arith.constant 0 : i32
    %dma_wait3A_383 = tpu.memref_slice %arg4[%add3A_363, %dma_wait3A_382] : memref<8192x1024xf32, #tpu.memory_space<hbm>> -> memref<32x1024xf32, #tpu.memory_space<hbm>>
    %dma_wait3A_384 = arith.constant 0 : i32
    %dma_wait3A_385 = tpu.memref_slice %arg4[%add3A_363, %dma_wait3A_384] : memref<8192x1024xf32, #tpu.memory_space<hbm>> -> memref<32x1024xf32, #tpu.memory_space<hbm>>
    %dma_wait3A_386 = arith.constant 0 : i32
    %dma_wait3A_387 = arith.constant 0 : i32
    %dma_wait3A_388 = tpu.memref_slice %arg7[%dma_wait3A_377, %dma_wait3A_386, %dma_wait3A_387] : memref<3x32x1024xf32, #tpu.memory_space<vmem>> -> memref<1x32x1024xf32, #tpu.memory_space<vmem>>
    %dma_wait3A_389 = tpu.memref_squeeze %dma_wait3A_388 : memref<1x32x1024xf32, #tpu.memory_space<vmem>> -> memref<32x1024xf32, #tpu.memory_space<vmem>>
    tpu.wait_dma2 semaphore(%arg13 : memref<!tpu.dma_semaphore, #tpu.memory_space<semaphore_mem>>) src(%dma_wait3A_389 : memref<32x1024xf32, #tpu.memory_space<vmem>>) dst(%dma_wait3A_385 : memref<32x1024xf32, #tpu.memory_space<hbm>>)
    %dma_start3A_390 = arith.constant 5 : i32
    %dma_start3A_391 = arith.constant 2 : i32
    %dma_start3A_392 = arith.constant 0 : i32
    %dma_start3A_393 = arith.constant 0 : i32
    %dma_start3A_394 = tpu.memref_slice %arg7[%dma_start3A_391, %dma_start3A_392, %dma_start3A_393] : memref<3x32x1024xf32, #tpu.memory_space<vmem>> -> memref<1x32x1024xf32, #tpu.memory_space<vmem>>
    %dma_start3A_395 = tpu.memref_squeeze %dma_start3A_394 : memref<1x32x1024xf32, #tpu.memory_space<vmem>> -> memref<32x1024xf32, #tpu.memory_space<vmem>>
    %dma_start3A_396 = arith.constant 0 : i32
    %dma_start3A_397 = tpu.memref_slice %arg6[%dma_start3A_390, %dma_start3A_396] : memref<8x32xi32, #tpu.memory_space<vmem>> -> memref<1x32xi32, #tpu.memory_space<vmem>>
    %dma_start3A_398 = tpu.memref_squeeze %dma_start3A_397 : memref<1x32xi32, #tpu.memory_space<vmem>> -> memref<32xi32, #tpu.memory_space<vmem>>
    %dma_start3A_399 = arith.constant 0 : i32
    %dma_start3A_400 = arith.constant 0 : i32
    %dma_start3A_401 = tpu.memref_slice %arg2[%dma_start3A_399, %dma_start3A_400] : memref<1024x1024xf32, #tpu.memory_space<hbm>> -> memref<1024x1024xf32, #tpu.memory_space<hbm>>
    tpu.enqueue_indirect_dma source(%dma_start3A_401 : memref<1024x1024xf32, #tpu.memory_space<hbm>>) target(%dma_start3A_395 : memref<32x1024xf32, #tpu.memory_space<vmem>>) offsets(%dma_start3A_398 : memref<32xi32, #tpu.memory_space<vmem>>) semaphore(%arg10 : memref<!tpu.dma_semaphore, #tpu.memory_space<semaphore_mem>>)
    %dma_wait3A_402 = arith.constant 3 : i32
    %dma_wait3A_403 = arith.constant 0 : i32
    %dma_wait3A_404 = arith.constant 0 : i32
    %dma_wait3A_405 = arith.constant 0 : i32
    %dma_wait3A_406 = tpu.memref_slice %arg7[%dma_wait3A_403, %dma_wait3A_404, %dma_wait3A_405] : memref<3x32x1024xf32, #tpu.memory_space<vmem>> -> memref<1x32x1024xf32, #tpu.memory_space<vmem>>
    %dma_wait3A_407 = tpu.memref_squeeze %dma_wait3A_406 : memref<1x32x1024xf32, #tpu.memory_space<vmem>> -> memref<32x1024xf32, #tpu.memory_space<vmem>>
    %dma_wait3A_408 = arith.constant 0 : i32
    %dma_wait3A_409 = tpu.memref_slice %arg6[%dma_wait3A_402, %dma_wait3A_408] : memref<8x32xi32, #tpu.memory_space<vmem>> -> memref<1x32xi32, #tpu.memory_space<vmem>>
    %dma_wait3A_410 = tpu.memref_squeeze %dma_wait3A_409 : memref<1x32xi32, #tpu.memory_space<vmem>> -> memref<32xi32, #tpu.memory_space<vmem>>
    %dma_wait3A_411 = arith.constant 0 : i32
    %dma_wait3A_412 = arith.constant 0 : i32
    %dma_wait3A_413 = tpu.memref_slice %arg2[%dma_wait3A_411, %dma_wait3A_412] : memref<1024x1024xf32, #tpu.memory_space<hbm>> -> memref<1024x1024xf32, #tpu.memory_space<hbm>>
    tpu.wait_indirect_dma semaphore(%arg8 : memref<!tpu.dma_semaphore, #tpu.memory_space<semaphore_mem>>) src(%dma_wait3A_413 : memref<1024x1024xf32, #tpu.memory_space<hbm>>) dst(%dma_wait3A_407 : memref<32x1024xf32, #tpu.memory_space<vmem>>)
    %add3A_414 = arith.constant 96 : i32
    %add3A_415 = arith.addi %add3A_35, %add3A_414 : i32
    %dma_start3A_416 = arith.constant 0 : i32
    %dma_start3A_417 = arith.constant 0 : i32
    %dma_start3A_418 = arith.constant 0 : i32
    %dma_start3A_419 = tpu.memref_slice %arg7[%dma_start3A_416, %dma_start3A_417, %dma_start3A_418] : memref<3x32x1024xf32, #tpu.memory_space<vmem>> -> memref<1x32x1024xf32, #tpu.memory_space<vmem>>
    %dma_start3A_420 = tpu.memref_squeeze %dma_start3A_419 : memref<1x32x1024xf32, #tpu.memory_space<vmem>> -> memref<32x1024xf32, #tpu.memory_space<vmem>>
    %dma_start3A_421 = arith.constant 0 : i32
    %dma_start3A_422 = tpu.memref_slice %arg4[%add3A_415, %dma_start3A_421] : memref<8192x1024xf32, #tpu.memory_space<hbm>> -> memref<32x1024xf32, #tpu.memory_space<hbm>>
    %dma_start3A_423 = arith.constant 0 : i32
    %dma_start3A_424 = tpu.memref_slice %arg4[%add3A_415, %dma_start3A_423] : memref<8192x1024xf32, #tpu.memory_space<hbm>> -> memref<32x1024xf32, #tpu.memory_space<hbm>>
    %dma_start3A_425 = arith.constant 0 : i32
    %dma_start3A_426 = arith.constant 0 : i32
    %dma_start3A_427 = tpu.memref_slice %arg7[%dma_start3A_416, %dma_start3A_425, %dma_start3A_426] : memref<3x32x1024xf32, #tpu.memory_space<vmem>> -> memref<1x32x1024xf32, #tpu.memory_space<vmem>>
    %dma_start3A_428 = tpu.memref_squeeze %dma_start3A_427 : memref<1x32x1024xf32, #tpu.memory_space<vmem>> -> memref<32x1024xf32, #tpu.memory_space<vmem>>
    tpu.enqueue_dma source(%dma_start3A_428 : memref<32x1024xf32, #tpu.memory_space<vmem>>) target(%dma_start3A_424 : memref<32x1024xf32, #tpu.memory_space<hbm>>) target_semaphore(%arg11 : memref<!tpu.dma_semaphore, #tpu.memory_space<semaphore_mem>>)
    %dma_wait3A_429 = arith.constant 0 : i32
    %dma_wait3A_430 = arith.constant 0 : i32
    %dma_wait3A_431 = arith.constant 0 : i32
    %dma_wait3A_432 = tpu.memref_slice %arg7[%dma_wait3A_429, %dma_wait3A_430, %dma_wait3A_431] : memref<3x32x1024xf32, #tpu.memory_space<vmem>> -> memref<1x32x1024xf32, #tpu.memory_space<vmem>>
    %dma_wait3A_433 = tpu.memref_squeeze %dma_wait3A_432 : memref<1x32x1024xf32, #tpu.memory_space<vmem>> -> memref<32x1024xf32, #tpu.memory_space<vmem>>
    %dma_wait3A_434 = arith.constant 0 : i32
    %dma_wait3A_435 = tpu.memref_slice %arg4[%add3A_415, %dma_wait3A_434] : memref<8192x1024xf32, #tpu.memory_space<hbm>> -> memref<32x1024xf32, #tpu.memory_space<hbm>>
    %dma_wait3A_436 = arith.constant 0 : i32
    %dma_wait3A_437 = tpu.memref_slice %arg4[%add3A_415, %dma_wait3A_436] : memref<8192x1024xf32, #tpu.memory_space<hbm>> -> memref<32x1024xf32, #tpu.memory_space<hbm>>
    %dma_wait3A_438 = arith.constant 0 : i32
    %dma_wait3A_439 = arith.constant 0 : i32
    %dma_wait3A_440 = tpu.memref_slice %arg7[%dma_wait3A_429, %dma_wait3A_438, %dma_wait3A_439] : memref<3x32x1024xf32, #tpu.memory_space<vmem>> -> memref<1x32x1024xf32, #tpu.memory_space<vmem>>
    %dma_wait3A_441 = tpu.memref_squeeze %dma_wait3A_440 : memref<1x32x1024xf32, #tpu.memory_space<vmem>> -> memref<32x1024xf32, #tpu.memory_space<vmem>>
    tpu.wait_dma2 semaphore(%arg11 : memref<!tpu.dma_semaphore, #tpu.memory_space<semaphore_mem>>) src(%dma_wait3A_441 : memref<32x1024xf32, #tpu.memory_space<vmem>>) dst(%dma_wait3A_437 : memref<32x1024xf32, #tpu.memory_space<hbm>>)
    %dma_start3A_442 = arith.constant 6 : i32
    %dma_start3A_443 = arith.constant 0 : i32
    %dma_start3A_444 = arith.constant 0 : i32
    %dma_start3A_445 = arith.constant 0 : i32
    %dma_start3A_446 = tpu.memref_slice %arg7[%dma_start3A_443, %dma_start3A_444, %dma_start3A_445] : memref<3x32x1024xf32, #tpu.memory_space<vmem>> -> memref<1x32x1024xf32, #tpu.memory_space<vmem>>
    %dma_start3A_447 = tpu.memref_squeeze %dma_start3A_446 : memref<1x32x1024xf32, #tpu.memory_space<vmem>> -> memref<32x1024xf32, #tpu.memory_space<vmem>>
    %dma_start3A_448 = arith.constant 0 : i32
    %dma_start3A_449 = tpu.memref_slice %arg6[%dma_start3A_442, %dma_start3A_448] : memref<8x32xi32, #tpu.memory_space<vmem>> -> memref<1x32xi32, #tpu.memory_space<vmem>>
    %dma_start3A_450 = tpu.memref_squeeze %dma_start3A_449 : memref<1x32xi32, #tpu.memory_space<vmem>> -> memref<32xi32, #tpu.memory_space<vmem>>
    %dma_start3A_451 = arith.constant 0 : i32
    %dma_start3A_452 = arith.constant 0 : i32
    %dma_start3A_453 = tpu.memref_slice %arg2[%dma_start3A_451, %dma_start3A_452] : memref<1024x1024xf32, #tpu.memory_space<hbm>> -> memref<1024x1024xf32, #tpu.memory_space<hbm>>
    tpu.enqueue_indirect_dma source(%dma_start3A_453 : memref<1024x1024xf32, #tpu.memory_space<hbm>>) target(%dma_start3A_447 : memref<32x1024xf32, #tpu.memory_space<vmem>>) offsets(%dma_start3A_450 : memref<32xi32, #tpu.memory_space<vmem>>) semaphore(%arg8 : memref<!tpu.dma_semaphore, #tpu.memory_space<semaphore_mem>>)
    %dma_wait3A_454 = arith.constant 4 : i32
    %dma_wait3A_455 = arith.constant 1 : i32
    %dma_wait3A_456 = arith.constant 0 : i32
    %dma_wait3A_457 = arith.constant 0 : i32
    %dma_wait3A_458 = tpu.memref_slice %arg7[%dma_wait3A_455, %dma_wait3A_456, %dma_wait3A_457] : memref<3x32x1024xf32, #tpu.memory_space<vmem>> -> memref<1x32x1024xf32, #tpu.memory_space<vmem>>
    %dma_wait3A_459 = tpu.memref_squeeze %dma_wait3A_458 : memref<1x32x1024xf32, #tpu.memory_space<vmem>> -> memref<32x1024xf32, #tpu.memory_space<vmem>>
    %dma_wait3A_460 = arith.constant 0 : i32
    %dma_wait3A_461 = tpu.memref_slice %arg6[%dma_wait3A_454, %dma_wait3A_460] : memref<8x32xi32, #tpu.memory_space<vmem>> -> memref<1x32xi32, #tpu.memory_space<vmem>>
    %dma_wait3A_462 = tpu.memref_squeeze %dma_wait3A_461 : memref<1x32xi32, #tpu.memory_space<vmem>> -> memref<32xi32, #tpu.memory_space<vmem>>
    %dma_wait3A_463 = arith.constant 0 : i32
    %dma_wait3A_464 = arith.constant 0 : i32
    %dma_wait3A_465 = tpu.memref_slice %arg2[%dma_wait3A_463, %dma_wait3A_464] : memref<1024x1024xf32, #tpu.memory_space<hbm>> -> memref<1024x1024xf32, #tpu.memory_space<hbm>>
    tpu.wait_indirect_dma semaphore(%arg9 : memref<!tpu.dma_semaphore, #tpu.memory_space<semaphore_mem>>) src(%dma_wait3A_465 : memref<1024x1024xf32, #tpu.memory_space<hbm>>) dst(%dma_wait3A_459 : memref<32x1024xf32, #tpu.memory_space<vmem>>)
    %add3A_466 = arith.constant 128 : i32
    %add3A_467 = arith.addi %add3A_35, %add3A_466 : i32
    %dma_start3A_468 = arith.constant 1 : i32
    %dma_start3A_469 = arith.constant 0 : i32
    %dma_start3A_470 = arith.constant 0 : i32
    %dma_start3A_471 = tpu.memref_slice %arg7[%dma_start3A_468, %dma_start3A_469, %dma_start3A_470] : memref<3x32x1024xf32, #tpu.memory_space<vmem>> -> memref<1x32x1024xf32, #tpu.memory_space<vmem>>
    %dma_start3A_472 = tpu.memref_squeeze %dma_start3A_471 : memref<1x32x1024xf32, #tpu.memory_space<vmem>> -> memref<32x1024xf32, #tpu.memory_space<vmem>>
    %dma_start3A_473 = arith.constant 0 : i32
    %dma_start3A_474 = tpu.memref_slice %arg4[%add3A_467, %dma_start3A_473] : memref<8192x1024xf32, #tpu.memory_space<hbm>> -> memref<32x1024xf32, #tpu.memory_space<hbm>>
    %dma_start3A_475 = arith.constant 0 : i32
    %dma_start3A_476 = tpu.memref_slice %arg4[%add3A_467, %dma_start3A_475] : memref<8192x1024xf32, #tpu.memory_space<hbm>> -> memref<32x1024xf32, #tpu.memory_space<hbm>>
    %dma_start3A_477 = arith.constant 0 : i32
    %dma_start3A_478 = arith.constant 0 : i32
    %dma_start3A_479 = tpu.memref_slice %arg7[%dma_start3A_468, %dma_start3A_477, %dma_start3A_478] : memref<3x32x1024xf32, #tpu.memory_space<vmem>> -> memref<1x32x1024xf32, #tpu.memory_space<vmem>>
    %dma_start3A_480 = tpu.memref_squeeze %dma_start3A_479 : memref<1x32x1024xf32, #tpu.memory_space<vmem>> -> memref<32x1024xf32, #tpu.memory_space<vmem>>
    tpu.enqueue_dma source(%dma_start3A_480 : memref<32x1024xf32, #tpu.memory_space<vmem>>) target(%dma_start3A_476 : memref<32x1024xf32, #tpu.memory_space<hbm>>) target_semaphore(%arg12 : memref<!tpu.dma_semaphore, #tpu.memory_space<semaphore_mem>>)
    %dma_wait3A_481 = arith.constant 1 : i32
    %dma_wait3A_482 = arith.constant 0 : i32
    %dma_wait3A_483 = arith.constant 0 : i32
    %dma_wait3A_484 = tpu.memref_slice %arg7[%dma_wait3A_481, %dma_wait3A_482, %dma_wait3A_483] : memref<3x32x1024xf32, #tpu.memory_space<vmem>> -> memref<1x32x1024xf32, #tpu.memory_space<vmem>>
    %dma_wait3A_485 = tpu.memref_squeeze %dma_wait3A_484 : memref<1x32x1024xf32, #tpu.memory_space<vmem>> -> memref<32x1024xf32, #tpu.memory_space<vmem>>
    %dma_wait3A_486 = arith.constant 0 : i32
    %dma_wait3A_487 = tpu.memref_slice %arg4[%add3A_467, %dma_wait3A_486] : memref<8192x1024xf32, #tpu.memory_space<hbm>> -> memref<32x1024xf32, #tpu.memory_space<hbm>>
    %dma_wait3A_488 = arith.constant 0 : i32
    %dma_wait3A_489 = tpu.memref_slice %arg4[%add3A_467, %dma_wait3A_488] : memref<8192x1024xf32, #tpu.memory_space<hbm>> -> memref<32x1024xf32, #tpu.memory_space<hbm>>
    %dma_wait3A_490 = arith.constant 0 : i32
    %dma_wait3A_491 = arith.constant 0 : i32
    %dma_wait3A_492 = tpu.memref_slice %arg7[%dma_wait3A_481, %dma_wait3A_490, %dma_wait3A_491] : memref<3x32x1024xf32, #tpu.memory_space<vmem>> -> memref<1x32x1024xf32, #tpu.memory_space<vmem>>
    %dma_wait3A_493 = tpu.memref_squeeze %dma_wait3A_492 : memref<1x32x1024xf32, #tpu.memory_space<vmem>> -> memref<32x1024xf32, #tpu.memory_space<vmem>>
    tpu.wait_dma2 semaphore(%arg12 : memref<!tpu.dma_semaphore, #tpu.memory_space<semaphore_mem>>) src(%dma_wait3A_493 : memref<32x1024xf32, #tpu.memory_space<vmem>>) dst(%dma_wait3A_489 : memref<32x1024xf32, #tpu.memory_space<hbm>>)
    %dma_start3A_494 = arith.constant 7 : i32
    %dma_start3A_495 = arith.constant 1 : i32
    %dma_start3A_496 = arith.constant 0 : i32
    %dma_start3A_497 = arith.constant 0 : i32
    %dma_start3A_498 = tpu.memref_slice %arg7[%dma_start3A_495, %dma_start3A_496, %dma_start3A_497] : memref<3x32x1024xf32, #tpu.memory_space<vmem>> -> memref<1x32x1024xf32, #tpu.memory_space<vmem>>
    %dma_start3A_499 = tpu.memref_squeeze %dma_start3A_498 : memref<1x32x1024xf32, #tpu.memory_space<vmem>> -> memref<32x1024xf32, #tpu.memory_space<vmem>>
    %dma_start3A_500 = arith.constant 0 : i32
    %dma_start3A_501 = tpu.memref_slice %arg6[%dma_start3A_494, %dma_start3A_500] : memref<8x32xi32, #tpu.memory_space<vmem>> -> memref<1x32xi32, #tpu.memory_space<vmem>>
    %dma_start3A_502 = tpu.memref_squeeze %dma_start3A_501 : memref<1x32xi32, #tpu.memory_space<vmem>> -> memref<32xi32, #tpu.memory_space<vmem>>
    %dma_start3A_503 = arith.constant 0 : i32
    %dma_start3A_504 = arith.constant 0 : i32
    %dma_start3A_505 = tpu.memref_slice %arg2[%dma_start3A_503, %dma_start3A_504] : memref<1024x1024xf32, #tpu.memory_space<hbm>> -> memref<1024x1024xf32, #tpu.memory_space<hbm>>
    tpu.enqueue_indirect_dma source(%dma_start3A_505 : memref<1024x1024xf32, #tpu.memory_space<hbm>>) target(%dma_start3A_499 : memref<32x1024xf32, #tpu.memory_space<vmem>>) offsets(%dma_start3A_502 : memref<32xi32, #tpu.memory_space<vmem>>) semaphore(%arg9 : memref<!tpu.dma_semaphore, #tpu.memory_space<semaphore_mem>>)
    %dma_wait3A_506 = arith.constant 5 : i32
    %dma_wait3A_507 = arith.constant 2 : i32
    %dma_wait3A_508 = arith.constant 0 : i32
    %dma_wait3A_509 = arith.constant 0 : i32
    %dma_wait3A_510 = tpu.memref_slice %arg7[%dma_wait3A_507, %dma_wait3A_508, %dma_wait3A_509] : memref<3x32x1024xf32, #tpu.memory_space<vmem>> -> memref<1x32x1024xf32, #tpu.memory_space<vmem>>
    %dma_wait3A_511 = tpu.memref_squeeze %dma_wait3A_510 : memref<1x32x1024xf32, #tpu.memory_space<vmem>> -> memref<32x1024xf32, #tpu.memory_space<vmem>>
    %dma_wait3A_512 = arith.constant 0 : i32
    %dma_wait3A_513 = tpu.memref_slice %arg6[%dma_wait3A_506, %dma_wait3A_512] : memref<8x32xi32, #tpu.memory_space<vmem>> -> memref<1x32xi32, #tpu.memory_space<vmem>>
    %dma_wait3A_514 = tpu.memref_squeeze %dma_wait3A_513 : memref<1x32xi32, #tpu.memory_space<vmem>> -> memref<32xi32, #tpu.memory_space<vmem>>
    %dma_wait3A_515 = arith.constant 0 : i32
    %dma_wait3A_516 = arith.constant 0 : i32
    %dma_wait3A_517 = tpu.memref_slice %arg2[%dma_wait3A_515, %dma_wait3A_516] : memref<1024x1024xf32, #tpu.memory_space<hbm>> -> memref<1024x1024xf32, #tpu.memory_space<hbm>>
    tpu.wait_indirect_dma semaphore(%arg10 : memref<!tpu.dma_semaphore, #tpu.memory_space<semaphore_mem>>) src(%dma_wait3A_517 : memref<1024x1024xf32, #tpu.memory_space<hbm>>) dst(%dma_wait3A_511 : memref<32x1024xf32, #tpu.memory_space<vmem>>)
    %add3A_518 = arith.constant 160 : i32
    %add3A_519 = arith.addi %add3A_35, %add3A_518 : i32
    %dma_start3A_520 = arith.constant 2 : i32
    %dma_start3A_521 = arith.constant 0 : i32
    %dma_start3A_522 = arith.constant 0 : i32
    %dma_start3A_523 = tpu.memref_slice %arg7[%dma_start3A_520, %dma_start3A_521, %dma_start3A_522] : memref<3x32x1024xf32, #tpu.memory_space<vmem>> -> memref<1x32x1024xf32, #tpu.memory_space<vmem>>
    %dma_start3A_524 = tpu.memref_squeeze %dma_start3A_523 : memref<1x32x1024xf32, #tpu.memory_space<vmem>> -> memref<32x1024xf32, #tpu.memory_space<vmem>>
    %dma_start3A_525 = arith.constant 0 : i32
    %dma_start3A_526 = tpu.memref_slice %arg4[%add3A_519, %dma_start3A_525] : memref<8192x1024xf32, #tpu.memory_space<hbm>> -> memref<32x1024xf32, #tpu.memory_space<hbm>>
    %dma_start3A_527 = arith.constant 0 : i32
    %dma_start3A_528 = tpu.memref_slice %arg4[%add3A_519, %dma_start3A_527] : memref<8192x1024xf32, #tpu.memory_space<hbm>> -> memref<32x1024xf32, #tpu.memory_space<hbm>>
    %dma_start3A_529 = arith.constant 0 : i32
    %dma_start3A_530 = arith.constant 0 : i32
    %dma_start3A_531 = tpu.memref_slice %arg7[%dma_start3A_520, %dma_start3A_529, %dma_start3A_530] : memref<3x32x1024xf32, #tpu.memory_space<vmem>> -> memref<1x32x1024xf32, #tpu.memory_space<vmem>>
    %dma_start3A_532 = tpu.memref_squeeze %dma_start3A_531 : memref<1x32x1024xf32, #tpu.memory_space<vmem>> -> memref<32x1024xf32, #tpu.memory_space<vmem>>
    tpu.enqueue_dma source(%dma_start3A_532 : memref<32x1024xf32, #tpu.memory_space<vmem>>) target(%dma_start3A_528 : memref<32x1024xf32, #tpu.memory_space<hbm>>) target_semaphore(%arg13 : memref<!tpu.dma_semaphore, #tpu.memory_space<semaphore_mem>>)
    %dma_wait3A_533 = arith.constant 6 : i32
    %dma_wait3A_534 = arith.constant 0 : i32
    %dma_wait3A_535 = arith.constant 0 : i32
    %dma_wait3A_536 = arith.constant 0 : i32
    %dma_wait3A_537 = tpu.memref_slice %arg7[%dma_wait3A_534, %dma_wait3A_535, %dma_wait3A_536] : memref<3x32x1024xf32, #tpu.memory_space<vmem>> -> memref<1x32x1024xf32, #tpu.memory_space<vmem>>
    %dma_wait3A_538 = tpu.memref_squeeze %dma_wait3A_537 : memref<1x32x1024xf32, #tpu.memory_space<vmem>> -> memref<32x1024xf32, #tpu.memory_space<vmem>>
    %dma_wait3A_539 = arith.constant 0 : i32
    %dma_wait3A_540 = tpu.memref_slice %arg6[%dma_wait3A_533, %dma_wait3A_539] : memref<8x32xi32, #tpu.memory_space<vmem>> -> memref<1x32xi32, #tpu.memory_space<vmem>>
    %dma_wait3A_541 = tpu.memref_squeeze %dma_wait3A_540 : memref<1x32xi32, #tpu.memory_space<vmem>> -> memref<32xi32, #tpu.memory_space<vmem>>
    %dma_wait3A_542 = arith.constant 0 : i32
    %dma_wait3A_543 = arith.constant 0 : i32
    %dma_wait3A_544 = tpu.memref_slice %arg2[%dma_wait3A_542, %dma_wait3A_543] : memref<1024x1024xf32, #tpu.memory_space<hbm>> -> memref<1024x1024xf32, #tpu.memory_space<hbm>>
    tpu.wait_indirect_dma semaphore(%arg8 : memref<!tpu.dma_semaphore, #tpu.memory_space<semaphore_mem>>) src(%dma_wait3A_544 : memref<1024x1024xf32, #tpu.memory_space<hbm>>) dst(%dma_wait3A_538 : memref<32x1024xf32, #tpu.memory_space<vmem>>)
    %add3A_545 = arith.constant 192 : i32
    %add3A_546 = arith.addi %add3A_35, %add3A_545 : i32
    %dma_start3A_547 = arith.constant 0 : i32
    %dma_start3A_548 = arith.constant 0 : i32
    %dma_start3A_549 = arith.constant 0 : i32
    %dma_start3A_550 = tpu.memref_slice %arg7[%dma_start3A_547, %dma_start3A_548, %dma_start3A_549] : memref<3x32x1024xf32, #tpu.memory_space<vmem>> -> memref<1x32x1024xf32, #tpu.memory_space<vmem>>
    %dma_start3A_551 = tpu.memref_squeeze %dma_start3A_550 : memref<1x32x1024xf32, #tpu.memory_space<vmem>> -> memref<32x1024xf32, #tpu.memory_space<vmem>>
    %dma_start3A_552 = arith.constant 0 : i32
    %dma_start3A_553 = tpu.memref_slice %arg4[%add3A_546, %dma_start3A_552] : memref<8192x1024xf32, #tpu.memory_space<hbm>> -> memref<32x1024xf32, #tpu.memory_space<hbm>>
    %dma_start3A_554 = arith.constant 0 : i32
    %dma_start3A_555 = tpu.memref_slice %arg4[%add3A_546, %dma_start3A_554] : memref<8192x1024xf32, #tpu.memory_space<hbm>> -> memref<32x1024xf32, #tpu.memory_space<hbm>>
    %dma_start3A_556 = arith.constant 0 : i32
    %dma_start3A_557 = arith.constant 0 : i32
    %dma_start3A_558 = tpu.memref_slice %arg7[%dma_start3A_547, %dma_start3A_556, %dma_start3A_557] : memref<3x32x1024xf32, #tpu.memory_space<vmem>> -> memref<1x32x1024xf32, #tpu.memory_space<vmem>>
    %dma_start3A_559 = tpu.memref_squeeze %dma_start3A_558 : memref<1x32x1024xf32, #tpu.memory_space<vmem>> -> memref<32x1024xf32, #tpu.memory_space<vmem>>
    tpu.enqueue_dma source(%dma_start3A_559 : memref<32x1024xf32, #tpu.memory_space<vmem>>) target(%dma_start3A_555 : memref<32x1024xf32, #tpu.memory_space<hbm>>) target_semaphore(%arg11 : memref<!tpu.dma_semaphore, #tpu.memory_space<semaphore_mem>>)
    %dma_wait3A_560 = arith.constant 7 : i32
    %dma_wait3A_561 = arith.constant 1 : i32
    %dma_wait3A_562 = arith.constant 0 : i32
    %dma_wait3A_563 = arith.constant 0 : i32
    %dma_wait3A_564 = tpu.memref_slice %arg7[%dma_wait3A_561, %dma_wait3A_562, %dma_wait3A_563] : memref<3x32x1024xf32, #tpu.memory_space<vmem>> -> memref<1x32x1024xf32, #tpu.memory_space<vmem>>
    %dma_wait3A_565 = tpu.memref_squeeze %dma_wait3A_564 : memref<1x32x1024xf32, #tpu.memory_space<vmem>> -> memref<32x1024xf32, #tpu.memory_space<vmem>>
    %dma_wait3A_566 = arith.constant 0 : i32
    %dma_wait3A_567 = tpu.memref_slice %arg6[%dma_wait3A_560, %dma_wait3A_566] : memref<8x32xi32, #tpu.memory_space<vmem>> -> memref<1x32xi32, #tpu.memory_space<vmem>>
    %dma_wait3A_568 = tpu.memref_squeeze %dma_wait3A_567 : memref<1x32xi32, #tpu.memory_space<vmem>> -> memref<32xi32, #tpu.memory_space<vmem>>
    %dma_wait3A_569 = arith.constant 0 : i32
    %dma_wait3A_570 = arith.constant 0 : i32
    %dma_wait3A_571 = tpu.memref_slice %arg2[%dma_wait3A_569, %dma_wait3A_570] : memref<1024x1024xf32, #tpu.memory_space<hbm>> -> memref<1024x1024xf32, #tpu.memory_space<hbm>>
    tpu.wait_indirect_dma semaphore(%arg9 : memref<!tpu.dma_semaphore, #tpu.memory_space<semaphore_mem>>) src(%dma_wait3A_571 : memref<1024x1024xf32, #tpu.memory_space<hbm>>) dst(%dma_wait3A_565 : memref<32x1024xf32, #tpu.memory_space<vmem>>)
    %add3A_572 = arith.constant 224 : i32
    %add3A_573 = arith.addi %add3A_35, %add3A_572 : i32
    %dma_start3A_574 = arith.constant 1 : i32
    %dma_start3A_575 = arith.constant 0 : i32
    %dma_start3A_576 = arith.constant 0 : i32
    %dma_start3A_577 = tpu.memref_slice %arg7[%dma_start3A_574, %dma_start3A_575, %dma_start3A_576] : memref<3x32x1024xf32, #tpu.memory_space<vmem>> -> memref<1x32x1024xf32, #tpu.memory_space<vmem>>
    %dma_start3A_578 = tpu.memref_squeeze %dma_start3A_577 : memref<1x32x1024xf32, #tpu.memory_space<vmem>> -> memref<32x1024xf32, #tpu.memory_space<vmem>>
    %dma_start3A_579 = arith.constant 0 : i32
    %dma_start3A_580 = tpu.memref_slice %arg4[%add3A_573, %dma_start3A_579] : memref<8192x1024xf32, #tpu.memory_space<hbm>> -> memref<32x1024xf32, #tpu.memory_space<hbm>>
    %dma_start3A_581 = arith.constant 0 : i32
    %dma_start3A_582 = tpu.memref_slice %arg4[%add3A_573, %dma_start3A_581] : memref<8192x1024xf32, #tpu.memory_space<hbm>> -> memref<32x1024xf32, #tpu.memory_space<hbm>>
    %dma_start3A_583 = arith.constant 0 : i32
    %dma_start3A_584 = arith.constant 0 : i32
    %dma_start3A_585 = tpu.memref_slice %arg7[%dma_start3A_574, %dma_start3A_583, %dma_start3A_584] : memref<3x32x1024xf32, #tpu.memory_space<vmem>> -> memref<1x32x1024xf32, #tpu.memory_space<vmem>>
    %dma_start3A_586 = tpu.memref_squeeze %dma_start3A_585 : memref<1x32x1024xf32, #tpu.memory_space<vmem>> -> memref<32x1024xf32, #tpu.memory_space<vmem>>
    tpu.enqueue_dma source(%dma_start3A_586 : memref<32x1024xf32, #tpu.memory_space<vmem>>) target(%dma_start3A_582 : memref<32x1024xf32, #tpu.memory_space<hbm>>) target_semaphore(%arg12 : memref<!tpu.dma_semaphore, #tpu.memory_space<semaphore_mem>>)
    %dma_wait3A_587 = arith.constant 2 : i32
    %dma_wait3A_588 = arith.constant 0 : i32
    %dma_wait3A_589 = arith.constant 0 : i32
    %dma_wait3A_590 = tpu.memref_slice %arg7[%dma_wait3A_587, %dma_wait3A_588, %dma_wait3A_589] : memref<3x32x1024xf32, #tpu.memory_space<vmem>> -> memref<1x32x1024xf32, #tpu.memory_space<vmem>>
    %dma_wait3A_591 = tpu.memref_squeeze %dma_wait3A_590 : memref<1x32x1024xf32, #tpu.memory_space<vmem>> -> memref<32x1024xf32, #tpu.memory_space<vmem>>
    %dma_wait3A_592 = arith.constant 0 : i32
    %dma_wait3A_593 = tpu.memref_slice %arg4[%add3A_519, %dma_wait3A_592] : memref<8192x1024xf32, #tpu.memory_space<hbm>> -> memref<32x1024xf32, #tpu.memory_space<hbm>>
    %dma_wait3A_594 = arith.constant 0 : i32
    %dma_wait3A_595 = tpu.memref_slice %arg4[%add3A_519, %dma_wait3A_594] : memref<8192x1024xf32, #tpu.memory_space<hbm>> -> memref<32x1024xf32, #tpu.memory_space<hbm>>
    %dma_wait3A_596 = arith.constant 0 : i32
    %dma_wait3A_597 = arith.constant 0 : i32
    %dma_wait3A_598 = tpu.memref_slice %arg7[%dma_wait3A_587, %dma_wait3A_596, %dma_wait3A_597] : memref<3x32x1024xf32, #tpu.memory_space<vmem>> -> memref<1x32x1024xf32, #tpu.memory_space<vmem>>
    %dma_wait3A_599 = tpu.memref_squeeze %dma_wait3A_598 : memref<1x32x1024xf32, #tpu.memory_space<vmem>> -> memref<32x1024xf32, #tpu.memory_space<vmem>>
    tpu.wait_dma2 semaphore(%arg13 : memref<!tpu.dma_semaphore, #tpu.memory_space<semaphore_mem>>) src(%dma_wait3A_599 : memref<32x1024xf32, #tpu.memory_space<vmem>>) dst(%dma_wait3A_595 : memref<32x1024xf32, #tpu.memory_space<hbm>>)
    %dma_wait3A_600 = arith.constant 0 : i32
    %dma_wait3A_601 = arith.constant 0 : i32
    %dma_wait3A_602 = arith.constant 0 : i32
    %dma_wait3A_603 = tpu.memref_slice %arg7[%dma_wait3A_600, %dma_wait3A_601, %dma_wait3A_602] : memref<3x32x1024xf32, #tpu.memory_space<vmem>> -> memref<1x32x1024xf32, #tpu.memory_space<vmem>>
    %dma_wait3A_604 = tpu.memref_squeeze %dma_wait3A_603 : memref<1x32x1024xf32, #tpu.memory_space<vmem>> -> memref<32x1024xf32, #tpu.memory_space<vmem>>
    %dma_wait3A_605 = arith.constant 0 : i32
    %dma_wait3A_606 = tpu.memref_slice %arg4[%add3A_546, %dma_wait3A_605] : memref<8192x1024xf32, #tpu.memory_space<hbm>> -> memref<32x1024xf32, #tpu.memory_space<hbm>>
    %dma_wait3A_607 = arith.constant 0 : i32
    %dma_wait3A_608 = tpu.memref_slice %arg4[%add3A_546, %dma_wait3A_607] : memref<8192x1024xf32, #tpu.memory_space<hbm>> -> memref<32x1024xf32, #tpu.memory_space<hbm>>
    %dma_wait3A_609 = arith.constant 0 : i32
    %dma_wait3A_610 = arith.constant 0 : i32
    %dma_wait3A_611 = tpu.memref_slice %arg7[%dma_wait3A_600, %dma_wait3A_609, %dma_wait3A_610] : memref<3x32x1024xf32, #tpu.memory_space<vmem>> -> memref<1x32x1024xf32, #tpu.memory_space<vmem>>
    %dma_wait3A_612 = tpu.memref_squeeze %dma_wait3A_611 : memref<1x32x1024xf32, #tpu.memory_space<vmem>> -> memref<32x1024xf32, #tpu.memory_space<vmem>>
    tpu.wait_dma2 semaphore(%arg11 : memref<!tpu.dma_semaphore, #tpu.memory_space<semaphore_mem>>) src(%dma_wait3A_612 : memref<32x1024xf32, #tpu.memory_space<vmem>>) dst(%dma_wait3A_608 : memref<32x1024xf32, #tpu.memory_space<hbm>>)
    %dma_wait3A_613 = arith.constant 1 : i32
    %dma_wait3A_614 = arith.constant 0 : i32
    %dma_wait3A_615 = arith.constant 0 : i32
    %dma_wait3A_616 = tpu.memref_slice %arg7[%dma_wait3A_613, %dma_wait3A_614, %dma_wait3A_615] : memref<3x32x1024xf32, #tpu.memory_space<vmem>> -> memref<1x32x1024xf32, #tpu.memory_space<vmem>>
    %dma_wait3A_617 = tpu.memref_squeeze %dma_wait3A_616 : memref<1x32x1024xf32, #tpu.memory_space<vmem>> -> memref<32x1024xf32, #tpu.memory_space<vmem>>
    %dma_wait3A_618 = arith.constant 0 : i32
    %dma_wait3A_619 = tpu.memref_slice %arg4[%add3A_573, %dma_wait3A_618] : memref<8192x1024xf32, #tpu.memory_space<hbm>> -> memref<32x1024xf32, #tpu.memory_space<hbm>>
    %dma_wait3A_620 = arith.constant 0 : i32
    %dma_wait3A_621 = tpu.memref_slice %arg4[%add3A_573, %dma_wait3A_620] : memref<8192x1024xf32, #tpu.memory_space<hbm>> -> memref<32x1024xf32, #tpu.memory_space<hbm>>
    %dma_wait3A_622 = arith.constant 0 : i32
    %dma_wait3A_623 = arith.constant 0 : i32
    %dma_wait3A_624 = tpu.memref_slice %arg7[%dma_wait3A_613, %dma_wait3A_622, %dma_wait3A_623] : memref<3x32x1024xf32, #tpu.memory_space<vmem>> -> memref<1x32x1024xf32, #tpu.memory_space<vmem>>
    %dma_wait3A_625 = tpu.memref_squeeze %dma_wait3A_624 : memref<1x32x1024xf32, #tpu.memory_space<vmem>> -> memref<32x1024xf32, #tpu.memory_space<vmem>>
    tpu.wait_dma2 semaphore(%arg12 : memref<!tpu.dma_semaphore, #tpu.memory_space<semaphore_mem>>) src(%dma_wait3A_625 : memref<32x1024xf32, #tpu.memory_space<vmem>>) dst(%dma_wait3A_621 : memref<32x1024xf32, #tpu.memory_space<hbm>>)
    return
  }
}

module attributes {stable_mosaic.version = 14 : i64} {
  func.func @_proj_body(%arg0: i32, %arg1: memref<1x1x2048xi32, #tpu.memory_space<vmem>>, %arg2: memref<1x2048x1024xf32, #tpu.memory_space<vmem>>, %arg3: memref<1024x1024xf32, #tpu.memory_space<vmem>>, %arg4: memref<1x1024xf32, #tpu.memory_space<vmem>>, %arg5: memref<1x256x1024xf32, #tpu.memory_space<vmem>>) attributes {dimension_semantics = [#tpu.dimension_semantics<arbitrary>], iteration_bounds = array<i64: 4>, scalar_prefetch = 0 : i64, scratch_operands = 0 : i64, tpu.core_type = #tpu.core_type<tc>, window_params = [{transform_indices = @transform_0, window_bounds = array<i64: 1, 1, 2048>}, {transform_indices = @transform_1, window_bounds = array<i64: 1, 2048, 1024>}, {pipeline_mode = #tpu.pipeline_mode<synchronous>, transform_indices = @transform_2, window_bounds = array<i64: 1024, 1024>}, {pipeline_mode = #tpu.pipeline_mode<synchronous>, transform_indices = @transform_3, window_bounds = array<i64: 1, 1024>}, {transform_indices = @transform_4, window_bounds = array<i64: 1, 256, 1024>}]} {
    %get3A = arith.constant 0 : index
    %get3A_0 = arith.constant 0 : index
    %get3A_1 = arith.constant 0 : index
    %get3A_2 = vector.load %arg1[%get3A, %get3A_0, %get3A_1] : memref<1x1x2048xi32, #tpu.memory_space<vmem>>, vector<1x1x2048xi32>
    %get3A_3 = vector.shape_cast %get3A_2 : vector<1x1x2048xi32> to vector<1x2048xi32>
    %iota3A = tpu.iota {dimensions = array<i32: 0>} : vector<256x2048xi32>
    %eq3A = vector.broadcast %get3A_3 : vector<1x2048xi32> to vector<256x2048xi32>
    %eq3A_4 = arith.cmpi eq, %iota3A, %eq3A : vector<256x2048xi32>
    %convert_element_type3A = arith.extui %eq3A_4 : vector<256x2048xi1> to vector<256x2048xi32>
    %convert_element_type3A_5 = arith.sitofp %convert_element_type3A : vector<256x2048xi32> to vector<256x2048xf32>
    %get3A_6 = arith.constant 0 : index
    %get3A_7 = arith.constant 0 : index
    %get3A_8 = arith.constant 0 : index
    %get3A_9 = vector.load %arg2[%get3A_6, %get3A_7, %get3A_8] : memref<1x2048x1024xf32, #tpu.memory_space<vmem>>, vector<1x2048x1024xf32>
    %get3A_10 = vector.shape_cast %get3A_9 : vector<1x2048x1024xf32> to vector<2048x1024xf32>
    %dot_general3A = arith.constant dense<0.000000e+00> : vector<256x1024xf32>
    %dot_general3A_11 = tpu.matmul %convert_element_type3A_5, %get3A_10, %dot_general3A {dimension_numbers = #tpu.dot_dimension_numbers<[1], [0], [0], [1], [0, 0, 1, 1], [], []>, transpose_lhs_hint = false} : vector<256x2048xf32>, vector<2048x1024xf32>, vector<256x1024xf32> -> vector<256x1024xf32>
    %get3A_12 = arith.constant 0 : index
    %get3A_13 = arith.constant 0 : index
    %get3A_14 = vector.load %arg3[%get3A_12, %get3A_13] : memref<1024x1024xf32, #tpu.memory_space<vmem>>, vector<1024x1024xf32>
    %dot_general3A_15 = arith.constant dense<0.000000e+00> : vector<256x1024xf32>
    %dot_general3A_16 = tpu.matmul %dot_general3A_11, %get3A_14, %dot_general3A_15 {dimension_numbers = #tpu.dot_dimension_numbers<[1], [1], [0], [0], [0, 0, 1, 0], [], []>, transpose_lhs_hint = false} : vector<256x1024xf32>, vector<1024x1024xf32>, vector<256x1024xf32> -> vector<256x1024xf32>
    %get3A_17 = arith.constant 0 : index
    %get3A_18 = arith.constant 0 : index
    %get3A_19 = vector.load %arg4[%get3A_17, %get3A_18] : memref<1x1024xf32, #tpu.memory_space<vmem>>, vector<1x1024xf32>
    %add3A = vector.broadcast %get3A_19 : vector<1x1024xf32> to vector<256x1024xf32>
    %add3A_20 = arith.addf %dot_general3A_16, %add3A : vector<256x1024xf32>
    %mul3A = arith.constant 5.000000e-01 : f32
    %mul3A_21 = vector.broadcast %mul3A : f32 to vector<256x1024xf32>
    %mul3A_22 = arith.mulf %add3A_20, %mul3A_21 : vector<256x1024xf32>
    %mul3A_23 = arith.constant 0.707106769 : f32
    %mul3A_24 = vector.broadcast %mul3A_23 : f32 to vector<256x1024xf32>
    %mul3A_25 = arith.mulf %add3A_20, %mul3A_24 : vector<256x1024xf32>
    %erf3A = math.erf %mul3A_25 : vector<256x1024xf32>
    %add3A_26 = arith.constant 1.000000e+00 : f32
    %add3A_27 = vector.broadcast %add3A_26 : f32 to vector<256x1024xf32>
    %add3A_28 = arith.addf %add3A_27, %erf3A : vector<256x1024xf32>
    %mul3A_29 = arith.mulf %mul3A_22, %add3A_28 : vector<256x1024xf32>
    %swap3A = arith.constant 0 : index
    %swap3A_30 = arith.constant 0 : index
    %swap3A_31 = arith.constant 0 : index
    %swap3A_32 = vector.load %arg5[%swap3A, %swap3A_30, %swap3A_31] : memref<1x256x1024xf32, #tpu.memory_space<vmem>>, vector<1x256x1024xf32>
    %swap3A_33 = vector.shape_cast %swap3A_32 : vector<1x256x1024xf32> to vector<256x1024xf32>
    %swap3A_34 = vector.shape_cast %mul3A_29 : vector<256x1024xf32> to vector<1x256x1024xf32>
    tpu.vector_store %arg5[%swap3A, %swap3A_30, %swap3A_31], %swap3A_34 {strides = array<i32>} : memref<1x256x1024xf32, #tpu.memory_space<vmem>>, vector<1x256x1024xf32>,
    return
  }
  func.func @transform_0(%arg0: i32) -> (i32, i32, i32) {
    %c0_i32 = arith.constant 0 : i32
    %c0_i32_0 = arith.constant 0 : i32
    %c0_i32_1 = arith.constant 0 : i32
    return %arg0, %c0_i32, %c0_i32_0 : i32, i32, i32
  }
  func.func @transform_1(%arg0: i32) -> (i32, i32, i32) {
    %c0_i32 = arith.constant 0 : i32
    %c0_i32_0 = arith.constant 0 : i32
    %c0_i32_1 = arith.constant 0 : i32
    return %arg0, %c0_i32, %c0_i32_0 : i32, i32, i32
  }
  func.func @transform_2(%arg0: i32) -> (i32, i32) {
    %c0_i32 = arith.constant 0 : i32
    %c0_i32_0 = arith.constant 0 : i32
    %c0_i32_1 = arith.constant 0 : i32
    return %c0_i32, %c0_i32_0 : i32, i32
  }
  func.func @transform_3(%arg0: i32) -> (i32, i32) {
    %c0_i32 = arith.constant 0 : i32
    %c0_i32_0 = arith.constant 0 : i32
    %c0_i32_1 = arith.constant 0 : i32
    return %c0_i32, %c0_i32_0 : i32, i32
  }
  func.func @transform_4(%arg0: i32) -> (i32, i32, i32) {
    %c0_i32 = arith.constant 0 : i32
    %c0_i32_0 = arith.constant 0 : i32
    %c0_i32_1 = arith.constant 0 : i32
    return %arg0, %c0_i32, %c0_i32_0 : i32, i32, i32
  }
}

</mosaic_0001>

<sc_bundles>
// kernel: kernel.4.cloned.1.call-start
scs
__scs_entry_jumppad:
0x0: {  	(pc) =	sbr.rel $0x88, $3  }
0x1: {  	(tag) =	ssettag $0x0;
	lr =	simm.s32 $0x1  }
0x2: {  	[smem:$0x3F9D] =	sst lr;
	_ =	strace $0xD0000000  }
0x3: {  	_ = 	snop  }
0x4: {  	_ = 	snop  }
0x5: {  	_ = 	snop  }
0x6: {  	_ = 	snop  }
0x7: {  	_ = 	snop  }
__scs_overlays_trampoline_lowered:
0x8: {  	[smem:$0x3FAC] =	sst s0  }
0x9: {  	[smem:$0x3FAD] =	sst s1  }
0xa: {  	[smem:$0x3FAE] =	sst s2  }
0xb: {  	[smem:$0x3FAF] =	sst s3  }
0xc: {  	[smem:$0x3FB0] =	sst s4  }
0xd: {  	[smem:$0x3FB1] =	sst s5  }
0xe: {  	[smem:$0x3FB2] =	sst s6  }
0xf: {  	[smem:$0x3FB3] =	sst s7  }
0x10: {  	[smem:$0x3FB4] =	sst s8  }
0x11: {  	[smem:$0x3FB5] =	sst s9;
	s0 =	simm.s32 @!p0 $0x0  }
0x12: {  	s1 =	sld [smem:$0x3F9B];
	s0 =	simm.s32 @p0 $0x1  }
0x13: {  	[smem:$0x3FB6] =	sst s0;
	s0 =	simm.s32 @!p1 $0x0  }
0x14: {  	s2 =	sld [smem:$0x3F9A];
	s0 =	simm.s32 @p1 $0x1  }
0x15: {  	[smem:$0x3FB7] =	sst s0;
	s0 =	simm.s32 @!p2 $0x0  }
0x16: {  	s3 =	sld [smem:$0x3FDB];
	s0 =	simm.s32 @p2 $0x1  }
0x17: {  	s4 =	simm.s32 $0x1BF5;
	[smem:$0x3FB9] =	sst s0  }
0x18: {  	s0 =	sld [smem:$0x3F9C];
	_ =	swait.ge [sflag:s4], $0x0  }
0x19: {  	s7 =	sld [smem:$0x3F9D]  }
0x1a: {  	s8 =	sadd.s32 $0xFFFFE003, lr  }
0x1b: {  	s9 =	sadd.s32 $0xFFFFFEF7, lr;
	s5 =	simm.s32 $0xFFFFFFFF;
	p2 =	slt.u32 s8, $0xFFFFF086  }
0x1c: {  	p1 =	slt.u32 s9, $0xF7A;
	s5 =	simm.s32 @!p2 $0x0  }
0x1d: {  	s5 =	simm.s32 @p1 $0x1;
	p0 =	seq.s32 s7, s2  }
0x1e: {  	s7 =	smul.u32 @!p0 $0xF7A, s2;
	p2 =	seq.s32 @!p0 s5, $0x0  }
0x1f: {  	s9 =	smul.u32 $0xF7A, s1;
	s8 =	simm.s32 @!p0 $0x1BF5;
	p2 =	por !p2, p0  }
0x20: {  	[sflag:s8] =	ssyncset.s32 @!p0 $0xFFFFF086;
	s6 =	sadd.s32 @!p0 s3, s7;
	s7 =	simm.s32 @!p0 $0x108  }
0x21: {  	s3 =	sadd.s32 s3, s9;
	s6 =	sadd.s32 @!p0 $0x88, s6;
	s7 =	simm.s32 @p2 $0x1082  }
0x22: {  	[simem:s7], [sflag:s8] =	dma.local @!p0 [hbm:s6], $0xF7A  }
0x23: {  	s9 =	sor.u32 $0xD0000000, s2;
	s6 =	simm.s32 $0x108;
	_ =	swait.ge @!p0 [sflag:s8], $0x0  }
0x24: {  	s3 =	sadd.s32 $0x88, s3;
	s6 =	simm.s32 @!p1 $0x1082;
	[sflag:s4] =	ssyncset.s32 $0xFFFFF086  }
0x25: {  	[simem:s6], [sflag:s4] =	dma.local [hbm:s3], $0xF7A  }
0x26: {  	[smem:$0x3F9D] =	sst s1;
	(tag) =	ssettag s2;
	_ =	strace s9  }
0x27: {  	s1 =	sld [smem:$0x3FAD]  }
0x28: {  	s2 =	sld [smem:$0x3FAE]  }
0x29: {  	s4 =	sld [smem:$0x3FB0]  }
0x2a: {  	p0 =	seq.s32 s5, $0x0;
	s5 =	sld [smem:$0x3FB1]  }
0x2b: {  	s6 =	sld [smem:$0x3FB2]  }
0x2c: {  	s7 =	sld [smem:$0x3FB3]  }
0x2d: {  	s3 =	simm.s32 $0x108;
	s8 =	sld [smem:$0x3FB4]  }
0x2e: {  	s3 =	simm.s32 @!p0 $0x1082;
	s9 =	sld [smem:$0x3FB5]  }
0x2f: {  	lr =	sadd.s32 s0, s3;
	s0 =	sld [smem:$0x3FAC]  }
0x30: {  	s3 =	sld [smem:$0x3FAF]  }
0x31: {  	[smem:$0x3FB8] =	sst s10  }
0x32: {  	s10 =	sld [smem:$0x3FB6];
	_ =	sdelay $0x3  }
0x33: {  	p0 =	seq.s32 s10, $0x1;
	s10 =	sld [smem:$0x3FB8];
	_ =	sdelay $0x3  }
0x34: {  	[smem:$0x3FB8] =	sst s10  }
0x35: {  	s10 =	sld [smem:$0x3FB7];
	_ =	sdelay $0x3  }
0x36: {  	p1 =	seq.s32 s10, $0x1;
	s10 =	sld [smem:$0x3FB8];
	_ =	sdelay $0x3  }
0x37: {  	[smem:$0x3FB8] =	sst s10  }
0x38: {  	s10 =	sld [smem:$0x3FB9]  }
0x39: {  	_ = 	snop;
	(pc) =	sbr.ind lr, $3  }
0x3a: {  	_ = 	snop  }
0x3b: {  	_ = 	snop  }
0x3c: {  	p2 =	seq.s32 s10, $0x1;
	s10 =	sld [smem:$0x3FB8]  }
0x3d: {  	_ =	shalt  }
0x3e: {  	_ =	shalt  }
0x3f: {  	_ =	shalt  }
0x40: {  	_ =	shalt  }
0x41: {  	_ =	shalt  }
0x42: {  	_ =	shalt  }
0x43: {  	_ =	shalt  }
0x44: {  	_ =	shalt  }
0x45: {  	_ =	shalt  }
0x46: {  	_ =	shalt  }
0x47: {  	_ =	shalt  }
0x48: {  	_ =	shalt  }
0x49: {  	_ =	shalt  }
0x4a: {  	_ =	shalt  }
0x4b: {  	_ =	shalt  }
0x4c: {  	_ =	shalt  }
0x4d: {  	_ =	shalt  }
0x4e: {  	_ =	shalt  }
0x4f: {  	_ =	shalt  }
0x50: {  	_ =	shalt  }
0x51: {  	_ =	shalt  }
0x52: {  	_ =	shalt  }
0x53: {  	_ =	shalt  }
0x54: {  	_ =	shalt  }
0x55: {  	_ =	shalt  }
0x56: {  	_ =	shalt  }
0x57: {  	_ =	shalt  }
0x58: {  	_ =	shalt  }
0x59: {  	_ =	shalt  }
0x5a: {  	_ =	shalt  }
0x5b: {  	_ =	shalt  }
0x5c: {  	_ =	shalt  }
0x5d: {  	_ =	shalt  }
0x5e: {  	_ =	shalt  }
0x5f: {  	_ =	shalt  }
0x60: {  	_ =	shalt  }
0x61: {  	_ =	shalt  }
0x62: {  	_ =	shalt  }
0x63: {  	_ =	shalt  }
0x64: {  	_ =	shalt  }
0x65: {  	_ =	shalt  }
0x66: {  	_ =	shalt  }
0x67: {  	_ =	shalt  }
0x68: {  	_ =	shalt  }
0x69: {  	_ =	shalt  }
0x6a: {  	_ =	shalt  }
0x6b: {  	_ =	shalt  }
0x6c: {  	_ =	shalt  }
0x6d: {  	_ =	shalt  }
0x6e: {  	_ =	shalt  }
0x6f: {  	_ =	shalt  }
0x70: {  	_ =	shalt  }
0x71: {  	_ =	shalt  }
0x72: {  	_ =	shalt  }
0x73: {  	_ =	shalt  }
0x74: {  	_ =	shalt  }
0x75: {  	_ =	shalt  }
0x76: {  	_ =	shalt  }
0x77: {  	_ =	shalt  }
0x78: {  	_ =	shalt  }
0x79: {  	_ =	shalt  }
0x7a: {  	_ =	shalt  }
0x7b: {  	_ =	shalt  }
0x7c: {  	_ =	shalt  }
0x7d: {  	_ =	shalt  }
0x7e: {  	_ =	shalt  }
0x7f: {  	_ =	shalt  }
0x80: {  	_ =	shalt  }
0x81: {  	_ =	shalt  }
0x82: {  	_ =	shalt  }
0x83: {  	_ =	shalt  }
0x84: {  	_ =	shalt  }
0x85: {  	_ =	shalt  }
0x86: {  	_ =	shalt  }
0x87: {  	_ =	shalt  }
.Lfunc_end0:
.L_simem_size_0:
called_computation_lowered:
.L_overlay_start_0:
0x88: {  	s2 =	sld [smem:$0x3FD9]  }
0x89: {  	s3 =	sld [smem:$0x3FFE];
	_ =	sdelay $0x1  }
0x8a: {  	s1 =	srdreg.scid  }
0x8b: {  	s0 =	sand.u32 $0x1, s1  }
0x8c: {  	s17 =	sshll.u32 s0, $0xA;
	s2 =	sadd.s32 s3, s2  }
0x8d: {  	s2 =	sadd.s32 s2, s17  }
0x8e: {  	[smem:$0x3FC4] =	sst s2  }
0x8f: {  	_ = 	snop  }
0x90: {  	s2 =	sld [smem:$0x3FD0];
	(tm) =	ssettm $0x1  }
0x91: {  	s18 =	sld [smem:$0x3FFB];
	_ =	sdelay $0x3  }
0x92: {  	_ =	strace s18  }
0x93: {  	s3 =	sld [smem:$0x3FFC];
	_ =	sdelay $0x3  }
0x94: {  	_ =	strace s3  }
0x95: {  	s3 =	sld [smem:$0x3FFD];
	_ =	sdelay $0x3  }
0x96: {  	_ =	strace s3  }
0x97: {  	_ =	strace $0x8FFFFFFF  }
0x98: {  	s19 =	sld [smem:$0x3FDB];
	_ =	sdelay $0x1  }
0x99: {  	s4 =	simm.s32 $_scs_section_size  }
0x9a: {  	s5 =	simm.s32 $_size__tile_overlayer_lowered;
	s6 =	simm.s32 $_tile_overlayer_lowered  }
0x9b: {  	s22 =	simm.s32 $0x1BFF;
	s21 =	sshll.u32 s6, $0x1;
	s3 =	sadd.s32 s4, s19  }
0x9c: {  	s7 =	simm.s32 $0x0;
	s20 =	sshll.u32 s5, $0x1;
	s5 =	sadd.s32 s21, s3  }
0x9d: {  	[timem:s7], [sflag:s22] =	dma.local [hbm:s5], s20  }
0x9e: {  	_ =	swait.ge [sflag:s22], s20  }
0x9f: {  	s4 =	ssub.s32 $0x0, s20;
	[sflag:s22] =	ssyncset.done $0x0  }
0xa0: {  	[sflag:s22] =	ssyncadd.s32 s4;
	_ =	sdelay $0x1  }
0xa1: {  	s23 =	simm.s32 $0x1B8B  }
0xa2: {  	_ =	swait.ge [sflag:s23], $0x1  }
0xa3: {  	[sflag:s23] =	ssyncset.done $0x0  }
0xa4: {  	s25 =	simm.s32 $0x1B8E;
	s24 =	sld [smem:$0x3FFE];
	[sflag:s23] =	ssyncadd.s32 $0xFFFFFFFF  }
0xa5: {  	s26 =	simm.s32 $execute0_lowered;
	[smem:$0x3FD2] =	sst s25  }
0xa6: {  	s5 =	sshll.u32 s26, $0x1;
	_ =	strace $0x80000046;
	[dreg:$0x1] =	wrdreg $0xFFFFFFFF  }
0xa7: {  	s28 =	simm.s32 $_size_execute0_lowered;
	s3 =	sadd.s32 s3, s5;
	[dreg:$0x0] =	wrdreg $0x0  }
0xa8: {  	s5 =	sshll.u32 s28, $0x1;
	[dreg:$0x2] =	wrdreg s3  }
0xa9: {  	[dreg:$0x3] =	wrdreg s5  }
0xaa: {  	[dreg:$0x4] =	wrdreg $0xC0  }
0xab: {  	_ =	task [dreg:s7], $0x5FFFF  }
0xac: {  	[dreg:$0x1] =	wrdreg $0xFFFFFFFF  }
0xad: {  	[dreg:$0x0] =	wrdreg $0x60  }
0xae: {  	[dreg:$0x2] =	wrdreg s24  }
0xaf: {  	[dreg:$0x3] =	wrdreg s2  }
0xb0: {  	[dreg:$0x4] =	wrdreg $0x9  }
0xb1: {  	_ =	task.clear_ibuf [dreg:s7], $0x5FFFF;
	_ =	strace $0x90000046  }
0xb2: {  	s29 =	simm.s32 $0x9;
	_ =	strace $0x80000048  }
0xb3: {  	_ =	swait.ge [sflag:s29], $0x1  }
0xb4: {  	[sflag:s29] =	ssyncadd.s32 $0xFFFFFFFF  }
0xb5: {  	_ =	strace $0x90000048  }
0xb6: {  	_ =	sfence  }
0xb7: {  	s30 =	sld [smem:$0x0];
	_ =	sdelay $0x2  }
0xb8: {  	s31 =	sshll.u32 s1, $0xD;
	s1 =	sshrl.u32 s1, $0x2  }
0xb9: {  	s3 =	sand.u32 $0x4000, s31;
	s1 =	sadd.s32 s1, s30  }
0xba: {  	s0 =	sor.u32 s3, s0;
	s1 =	sshll.u32 s1, $0x11  }
0xbb: {  	s0 =	sor.u32 s1, s0  }
0xbc: {  	s0 =	sadd.s32 $0x8F2B, s0  }
0xbd: {  	[sflag:s0] =	ssyncadd.remote.s32 $0x1  }
0xbe: {  	_ =	sfence.sel $0xFFFF  }
0xbf: {  	[dreg:$0x0] =	wrdreg $0xFFFFFFFF;
	(pc) =	sbr.abs _section_cstart, $3  }
0xc0: {  	[dreg:$0x1] =	wrdreg $0xFFFFFFFF  }
0xc1: {  	_ =	task.clear_ibuf [dreg:s7], $0x2FFFF;
	_ =	strace $0x9FFFFFFF  }
0xc2: {  	(tm) =	ssettm $0x7FFFFFFF  }
0xc3: {  	_ =	shalt  }
tec
execute0_lowered:
.L_overlay_start_1:
0x0: {  	(tag) =	ssettag $0x1  }
0x1: {  	s0 =	srdreg.scid  }
0x2: {  	s3 =	stileid.u32;
	s4 =	rddreg [dreg:$0x0]  }
0x3: {  	s5 =	rddreg [dreg:$0x1];
	s31 =	simm.s32 $0x10500;
	s29 =	simm.s32 $0x10D00  }
0x4: {  	s30 =	simm.s32 $0x11500;
	s9 =	simm.s32 $0x12500;
	s10 =	simm.s32 $0x12D00  }
0x5: {  	s11 =	simm.s32 $0x13500;
	s12 =	simm.s32 $0x13D00;
	s13 =	simm.s32 $0x14500  }
0x6: {  	s14 =	simm.s32 $0x14D00;
	s15 =	simm.s32 $0x15500;
	s16 =	simm.s32 $0x15D00  }
0x7: {  	s17 =	simm.s32 $0x16500;
	s18 =	simm.s32 $0x16D00;
	s0 =	sand.u32 $0x1, s0  }
0x8: {  	s2 =	sshrl.u32 s3, $0x3;
	s19 =	sshll.u32 s3, $0x8;
	s1 =	sshll.u32 s0, $0x1  }
0x9: {  	s28 =	simm.s32 $0x17D00;
	s3 =	sand.u32 $0x700, s19;
	s1 =	sor.u32 s2, s1  }
0xa: {  	s0 =	ssub.s32 $0x2, s0;
	s2 =	simm.s32 $0x0;
	s6 =	sshll.u32 s1, $0xB  }
0xb: {  	s20 =	sshrl.u32 s0, $0x1;
	[smem:$0x7FF] =	sst s2;
	s3 =	sor.u32 s3, s6  }
0xc: {  	s0 =	ssub.s32 s0, s20;
	s6 =	sshrl.u32 s3, $0x3;
	s7 =	sshll.u32 s3, $0x7  }
0xd: {  	s19 =	sshll.u32 s1, $0x8;
	s6 =	sadd.s32 s6, s4;
	s8 =	sadd.s32 s5, s7  }
0xe: {  	_ =	strace $0x80000047;
	s6 =	sadd.s32 $0xA00, s6;
	[dreg:$0xb] =	wrdreg s8  }
0xf: {  	s20 =	simm.s32 $0x4;
	s5 =	sadd.s32 $0x1000, s8;
	[dreg:$0x3] =	wrdreg s6  }
0x10: {  	v0 =	vmov s19;
	s19 =	simm.s32 $0x1;
	s21 =	sadd.s32 $0x2000, s8;
	[dreg:$0x4] =	wrdreg s5  }
0x11: {  	s3 =	sadd.s32 $0xE00, s4;
	s22 =	sadd.s32 $0x3000, s8;
	[dreg:$0x5] =	wrdreg s21  }
0x12: {  	s7 =	sadd.s32 $0x1100, s4;
	s23 =	sadd.s32 $0x4000, s8;
	[dreg:$0x6] =	wrdreg s22  }
0x13: {  	s24 =	sadd.s32 $0x5000, s8;
	s25 =	sadd.s32 $0x6000, s8;
	[dreg:$0x7] =	wrdreg s23  }
0x14: {  	s26 =	sadd.s32 $0x7000, s8;
	s8 =	smax.u32 s0, $0x1;
	[dreg:$0x8] =	wrdreg s24  }
0x15: {  	v3 =	vlaneseq.u32;
	s5 =	sadd.s32 $0xF00, s4;
	s6 =	sadd.s32 $0x1000, s4;
	[dreg:$0x9] =	wrdreg s25  }
0x16: {  	vm0 =	vmmov $0xffff;
	v2 =	vshrl.u32 v3, $0x3;
	[dreg:$0xa] =	wrdreg s26;
	s21 =	simm.s32 $0x2;
	s22 =	simm.s32 $0x5  }
0x17: {  	v1 =	vand.u32 $0x7, v3;
	v3 =	vor.u32 $0x8, v3;
	v2 =	vmul.u32 $0x8, v2;
	s26 =	simm.s32 $0x500;
	s23 =	simm.s32 $0x8500;
	s24 =	simm.s32 $0x17500  }
.LBB2_1:
0x18: {  	s25 =	rddreg [dreg:$0x3];
	s4 =	simm.s32 $0x7  }
0x19: {  	[tilespmem:s2], [sflag:$0x7] =	stream.linear.gather [hbm4b:s25+s2], $0x100, $0x38;
	[tilespmem:$0x18500] =	vst v63  }
0x1a: {  	_ =	swait.ge [sflag:s4], $0x100  }
0x1b: {  	[sflag:s4] =	ssyncset.done $0x0  }
0x1c: {  	[sflag:s4] =	ssyncadd.s32 $0xFFFFFF00  }
0x1d: {  	v4 =	vld [tilespmem:$0x0]  }
0x1e: {  	v5 =	vld [tilespmem:$0x10]  }
0x1f: {  	v6 =	vld [tilespmem:$0x20]  }
0x20: {  	v7 =	vld [tilespmem:$0x30]  }
0x21: {  	v8 =	vld [tilespmem:$0x40]  }
0x22: {  	v10 =	vld [tilespmem:$0x50];
	v9 =	vadd.s32 v0, v4  }
0x23: {  	v11 =	vld [tilespmem:$0x60];
	v5 =	vadd.s32 v0, v5;
	[tilespmem:$0x100] =	vst v9  }
0x24: {  	v53 =	vld [tilespmem:$0x70];
	[tilespmem:$0x110] =	vst v5;
	v5 =	vadd.s32 v0, v6  }
0x25: {  	v54 =	vld [tilespmem:$0x80];
	[tilespmem:$0x180] =	vst v5;
	v5 =	vadd.s32 v0, v7  }
0x26: {  	v55 =	vld [tilespmem:$0x90];
	[tilespmem:$0x190] =	vst v5;
	v5 =	vadd.s32 v0, v8  }
0x27: {  	v56 =	vld [tilespmem:$0xA0];
	[tilespmem:$0x200] =	vst v5;
	v5 =	vadd.s32 v0, v10  }
0x28: {  	v57 =	vld [tilespmem:$0xB0];
	[tilespmem:$0x210] =	vst v5;
	v5 =	vadd.s32 v0, v11  }
0x29: {  	v58 =	vld [tilespmem:$0xC0];
	v9 =	vshll.u32 v9, $0x3;
	[tilespmem:$0x280] =	vst v5;
	v5 =	vadd.s32 v0, v53  }
0x2a: {  	v59 =	vld [tilespmem:$0xD0];
	v4 =	vand.u32 $0x7, v4;
	v9 =	vand.u32 $0xFFFFFFC0, v9;
	[tilespmem:$0x290] =	vst v5;
	v5 =	vadd.s32 v0, v54  }
0x2b: {  	v60 =	vld [tilespmem:$0xE0];
	v4 =	vor.u32 v4, v9;
	[tilespmem:$0x300] =	vst v5;
	v5 =	vadd.s32 v0, v55  }
0x2c: {  	v61 =	vld [tilespmem:$0xF0];
	v62 =	vperm.xlane v4, v1;
	[tilespmem:$0x310] =	vst v5;
	v5 =	vadd.s32 v0, v56  }
0x2d: {  	[tilespmem:$0x380] =	vst v5;
	v5 =	vadd.s32 v0, v57  }
0x2e: {  	v63 =	vadd.s32 v2, v62;
	[tilespmem:$0x390] =	vst v5;
	v5 =	vadd.s32 v0, v58  }
0x2f: {  	[tilespmem:$0x400] =	vst v5;
	v5 =	vadd.s32 v0, v59  }
0x30: {  	[tilespmem:$0x410] =	vst v5;
	v5 =	vadd.s32 v0, v60  }
0x31: {  	[tilespmem:$0x480] =	vst v5;
	v5 =	vadd.s32 v0, v61  }
0x32: {  	[tilespmem:$0x490] =	vst v5  }
0x33: {  	[tilespmem:s26], [sflag:$0x1] =	stream.indirect_vreg.gather [hbm4b:s3+s2], $0x80, v63, vm0, $0xb8;
	[tilespmem:$0x18500] =	vst v63  }
0x34: {  	s0 =	simm.s32 $0xD00;
	v4 =	vperm.xlane v4, v3  }
0x35: {  	[tilespmem:s0], [sflag:$0x1] =	stream.indirect_vreg.gather [hbm4b:s5+s2], $0x80, v63, vm0, $0xb8;
	[tilespmem:$0x18500] =	vst v63  }
0x36: {  	s25 =	simm.s32 $0x1500;
	v4 =	vadd.s32 v2, v4  }
0x37: {  	[tilespmem:s25], [sflag:$0x1] =	stream.indirect_vreg.gather [hbm4b:s6+s2], $0x80, v63, vm0, $0xb8;
	[tilespmem:$0x18500] =	vst v63  }
0x38: {  	s4 =	simm.s32 $0x1D00  }
0x39: {  	[tilespmem:s4], [sflag:$0x1] =	stream.indirect_vreg.gather [hbm4b:s7+s2], $0x80, v63, vm0, $0xb8;
	[tilespmem:$0x18500] =	vst v63  }
0x3a: {  	s25 =	simm.s32 $0x2500  }
0x3b: {  	[tilespmem:s25], [sflag:$0x1] =	stream.indirect_vreg.gather [hbm4b:s3+s2], $0x80, v4, vm0, $0xb8;
	[tilespmem:$0x18500] =	vst v63  }
0x3c: {  	s4 =	simm.s32 $0x2D00  }
0x3d: {  	[tilespmem:s4], [sflag:$0x1] =	stream.indirect_vreg.gather [hbm4b:s5+s2], $0x80, v4, vm0, $0xb8;
	[tilespmem:$0x18500] =	vst v63  }
0x3e: {  	s25 =	simm.s32 $0x3500  }
0x3f: {  	[tilespmem:s25], [sflag:$0x1] =	stream.indirect_vreg.gather [hbm4b:s6+s2], $0x80, v4, vm0, $0xb8;
	[tilespmem:$0x18500] =	vst v63  }
0x40: {  	s4 =	simm.s32 $0x3D00  }
0x41: {  	[tilespmem:s4], [sflag:$0x1] =	stream.indirect_vreg.gather [hbm4b:s7+s2], $0x80, v4, vm0, $0xb8;
	[tilespmem:$0x18500] =	vst v63  }
0x42: {  	v4 =	vld [tilespmem:$0x110];
	_ =	sdelay $0x4  }
0x43: {  	v5 =	vshll.u32 v4, $0x3  }
0x44: {  	v4 =	vand.u32 $0x7, v4;
	v5 =	vand.u32 $0xFFFFFFC0, v5  }
0x45: {  	v4 =	vor.u32 v4, v5  }
0x46: {  	v5 =	vperm.xlane v4, v1;
	_ =	sdelay $0x1  }
0x47: {  	v5 =	vadd.s32 v2, v5;
	_ =	sdelay $0x3  }
0x48: {  	s25 =	simm.s32 $0x4500  }
0x49: {  	[tilespmem:s25], [sflag:$0x1] =	stream.indirect_vreg.gather [hbm4b:s3+s2], $0x80, v5, vm0, $0xb8;
	[tilespmem:$0x18500] =	vst v63  }
0x4a: {  	s4 =	simm.s32 $0x4D00;
	v4 =	vperm.xlane v4, v3  }
0x4b: {  	[tilespmem:s4], [sflag:$0x1] =	stream.indirect_vreg.gather [hbm4b:s5+s2], $0x80, v5, vm0, $0xb8;
	[tilespmem:$0x18500] =	vst v63  }
0x4c: {  	v4 =	vadd.s32 v2, v4;
	s25 =	simm.s32 $0x5500  }
0x4d: {  	[tilespmem:s25], [sflag:$0x1] =	stream.indirect_vreg.gather [hbm4b:s6+s2], $0x80, v5, vm0, $0xb8;
	[tilespmem:$0x18500] =	vst v63  }
0x4e: {  	s4 =	simm.s32 $0x5D00  }
0x4f: {  	[tilespmem:s4], [sflag:$0x1] =	stream.indirect_vreg.gather [hbm4b:s7+s2], $0x80, v5, vm0, $0xb8;
	[tilespmem:$0x18500] =	vst v63  }
0x50: {  	s25 =	simm.s32 $0x6500  }
0x51: {  	[tilespmem:s25], [sflag:$0x1] =	stream.indirect_vreg.gather [hbm4b:s3+s2], $0x80, v4, vm0, $0xb8;
	[tilespmem:$0x18500] =	vst v63  }
0x52: {  	s4 =	simm.s32 $0x6D00  }
0x53: {  	[tilespmem:s4], [sflag:$0x1] =	stream.indirect_vreg.gather [hbm4b:s5+s2], $0x80, v4, vm0, $0xb8;
	[tilespmem:$0x18500] =	vst v63  }
0x54: {  	s25 =	simm.s32 $0x7500  }
0x55: {  	[tilespmem:s25], [sflag:$0x1] =	stream.indirect_vreg.gather [hbm4b:s6+s2], $0x80, v4, vm0, $0xb8;
	[tilespmem:$0x18500] =	vst v63  }
0x56: {  	s4 =	simm.s32 $0x7D00  }
0x57: {  	[tilespmem:s4], [sflag:$0x1] =	stream.indirect_vreg.gather [hbm4b:s7+s2], $0x80, v4, vm0, $0xb8;
	[tilespmem:$0x18500] =	vst v63  }
0x58: {  	v4 =	vld [tilespmem:$0x180];
	_ =	sdelay $0x4  }
0x59: {  	v5 =	vshll.u32 v4, $0x3  }
0x5a: {  	v4 =	vand.u32 $0x7, v4;
	v5 =	vand.u32 $0xFFFFFFC0, v5  }
0x5b: {  	v4 =	vor.u32 v4, v5  }
0x5c: {  	v5 =	vperm.xlane v4, v1;
	_ =	sdelay $0x1  }
0x5d: {  	v5 =	vadd.s32 v2, v5;
	_ =	sdelay $0x4  }
0x5e: {  	[tilespmem:s23], [sflag:$0x2] =	stream.indirect_vreg.gather [hbm4b:s3+s2], $0x80, v5, vm0, $0xb8;
	[tilespmem:$0x18500] =	vst v63  }
0x5f: {  	s25 =	simm.s32 $0x8D00;
	v4 =	vperm.xlane v4, v3  }
0x60: {  	[tilespmem:s25], [sflag:$0x2] =	stream.indirect_vreg.gather [hbm4b:s5+s2], $0x80, v5, vm0, $0xb8;
	[tilespmem:$0x18500] =	vst v63  }
0x61: {  	s4 =	simm.s32 $0x9500;
	v4 =	vadd.s32 v2, v4  }
0x62: {  	[tilespmem:s4], [sflag:$0x2] =	stream.indirect_vreg.gather [hbm4b:s6+s2], $0x80, v5, vm0, $0xb8;
	[tilespmem:$0x18500] =	vst v63  }
0x63: {  	s25 =	simm.s32 $0x9D00  }
0x64: {  	[tilespmem:s25], [sflag:$0x2] =	stream.indirect_vreg.gather [hbm4b:s7+s2], $0x80, v5, vm0, $0xb8;
	[tilespmem:$0x18500] =	vst v63  }
0x65: {  	s4 =	simm.s32 $0xA500  }
0x66: {  	[tilespmem:s4], [sflag:$0x2] =	stream.indirect_vreg.gather [hbm4b:s3+s2], $0x80, v4, vm0, $0xb8;
	[tilespmem:$0x18500] =	vst v63  }
0x67: {  	s25 =	simm.s32 $0xAD00  }
0x68: {  	[tilespmem:s25], [sflag:$0x2] =	stream.indirect_vreg.gather [hbm4b:s5+s2], $0x80, v4, vm0, $0xb8;
	[tilespmem:$0x18500] =	vst v63  }
0x69: {  	s4 =	simm.s32 $0xB500  }
0x6a: {  	[tilespmem:s4], [sflag:$0x2] =	stream.indirect_vreg.gather [hbm4b:s6+s2], $0x80, v4, vm0, $0xb8;
	[tilespmem:$0x18500] =	vst v63  }
0x6b: {  	s25 =	simm.s32 $0xBD00  }
0x6c: {  	[tilespmem:s25], [sflag:$0x2] =	stream.indirect_vreg.gather [hbm4b:s7+s2], $0x80, v4, vm0, $0xb8;
	[tilespmem:$0x18500] =	vst v63  }
0x6d: {  	v4 =	vld [tilespmem:$0x190];
	_ =	sdelay $0x4  }
0x6e: {  	v5 =	vshll.u32 v4, $0x3  }
0x6f: {  	v4 =	vand.u32 $0x7, v4;
	v5 =	vand.u32 $0xFFFFFFC0, v5  }
0x70: {  	v4 =	vor.u32 v4, v5  }
0x71: {  	v5 =	vperm.xlane v4, v1;
	_ =	sdelay $0x1  }
0x72: {  	v5 =	vadd.s32 v2, v5;
	_ =	sdelay $0x3  }
0x73: {  	s4 =	simm.s32 $0xC500  }
0x74: {  	[tilespmem:s4], [sflag:$0x2] =	stream.indirect_vreg.gather [hbm4b:s3+s2], $0x80, v5, vm0, $0xb8;
	[tilespmem:$0x18500] =	vst v63  }
0x75: {  	s25 =	simm.s32 $0xCD00;
	v4 =	vperm.xlane v4, v3  }
0x76: {  	[tilespmem:s25], [sflag:$0x2] =	stream.indirect_vreg.gather [hbm4b:s5+s2], $0x80, v5, vm0, $0xb8;
	[tilespmem:$0x18500] =	vst v63  }
0x77: {  	v4 =	vadd.s32 v2, v4;
	s4 =	simm.s32 $0xD500  }
0x78: {  	[tilespmem:s4], [sflag:$0x2] =	stream.indirect_vreg.gather [hbm4b:s6+s2], $0x80, v5, vm0, $0xb8;
	[tilespmem:$0x18500] =	vst v63  }
0x79: {  	s25 =	simm.s32 $0xDD00  }
0x7a: {  	[tilespmem:s25], [sflag:$0x2] =	stream.indirect_vreg.gather [hbm4b:s7+s2], $0x80, v5, vm0, $0xb8;
	[tilespmem:$0x18500] =	vst v63  }
0x7b: {  	s4 =	simm.s32 $0xE500  }
0x7c: {  	[tilespmem:s4], [sflag:$0x2] =	stream.indirect_vreg.gather [hbm4b:s3+s2], $0x80, v4, vm0, $0xb8;
	[tilespmem:$0x18500] =	vst v63  }
0x7d: {  	s25 =	simm.s32 $0xED00  }
0x7e: {  	[tilespmem:s25], [sflag:$0x2] =	stream.indirect_vreg.gather [hbm4b:s5+s2], $0x80, v4, vm0, $0xb8;
	[tilespmem:$0x18500] =	vst v63  }
0x7f: {  	s4 =	simm.s32 $0xF500  }
0x80: {  	[tilespmem:s4], [sflag:$0x2] =	stream.indirect_vreg.gather [hbm4b:s6+s2], $0x80, v4, vm0, $0xb8;
	[tilespmem:$0x18500] =	vst v63  }
0x81: {  	s25 =	simm.s32 $0xFD00  }
0x82: {  	[tilespmem:s25], [sflag:$0x2] =	stream.indirect_vreg.gather [hbm4b:s7+s2], $0x80, v4, vm0, $0xb8;
	[tilespmem:$0x18500] =	vst v63  }
0x83: {  	v4 =	vld [tilespmem:$0x200];
	_ =	sdelay $0x4  }
0x84: {  	v5 =	vshll.u32 v4, $0x3  }
0x85: {  	v4 =	vand.u32 $0x7, v4;
	v5 =	vand.u32 $0xFFFFFFC0, v5  }
0x86: {  	v4 =	vor.u32 v4, v5  }
0x87: {  	v5 =	vperm.xlane v4, v1;
	_ =	sdelay $0x1  }
0x88: {  	v5 =	vadd.s32 v2, v5;
	_ =	sdelay $0x4  }
0x89: {  	[tilespmem:s31], [sflag:$0x3] =	stream.indirect_vreg.gather [hbm4b:s3+s2], $0x80, v5, vm0, $0xb8;
	[tilespmem:$0x18500] =	vst v63  }
0x8a: {  	v4 =	vperm.xlane v4, v3  }
0x8b: {  	[tilespmem:s29], [sflag:$0x3] =	stream.indirect_vreg.gather [hbm4b:s5+s2], $0x80, v5, vm0, $0xb8;
	[tilespmem:$0x18500] =	vst v63  }
0x8c: {  	v4 =	vadd.s32 v2, v4  }
0x8d: {  	[tilespmem:s30], [sflag:$0x3] =	stream.indirect_vreg.gather [hbm4b:s6+s2], $0x80, v5, vm0, $0xb8;
	[tilespmem:$0x18500] =	vst v63  }
0x8e: {  	s4 =	simm.s32 $0x11D00  }
0x8f: {  	[tilespmem:s4], [sflag:$0x3] =	stream.indirect_vreg.gather [hbm4b:s7+s2], $0x80, v5, vm0, $0xb8;
	[tilespmem:$0x18500] =	vst v63  }
0x90: {  	_ = 	snop  }
0x91: {  	[tilespmem:s9], [sflag:$0x3] =	stream.indirect_vreg.gather [hbm4b:s3+s2], $0x80, v4, vm0, $0xb8;
	[tilespmem:$0x18500] =	vst v63  }
0x92: {  	_ = 	snop  }
0x93: {  	[tilespmem:s10], [sflag:$0x3] =	stream.indirect_vreg.gather [hbm4b:s5+s2], $0x80, v4, vm0, $0xb8;
	[tilespmem:$0x18500] =	vst v63  }
0x94: {  	_ = 	snop  }
0x95: {  	[tilespmem:s11], [sflag:$0x3] =	stream.indirect_vreg.gather [hbm4b:s6+s2], $0x80, v4, vm0, $0xb8;
	[tilespmem:$0x18500] =	vst v63  }
0x96: {  	_ = 	snop  }
0x97: {  	[tilespmem:s12], [sflag:$0x3] =	stream.indirect_vreg.gather [hbm4b:s7+s2], $0x80, v4, vm0, $0xb8;
	[tilespmem:$0x18500] =	vst v63  }
0x98: {  	v4 =	vld [tilespmem:$0x210];
	_ =	sdelay $0x4  }
0x99: {  	v5 =	vshll.u32 v4, $0x3  }
0x9a: {  	v4 =	vand.u32 $0x7, v4;
	v5 =	vand.u32 $0xFFFFFFC0, v5  }
0x9b: {  	v4 =	vor.u32 v4, v5  }
0x9c: {  	v5 =	vperm.xlane v4, v1;
	_ =	sdelay $0x1  }
0x9d: {  	v5 =	vadd.s32 v2, v5;
	_ =	sdelay $0x4  }
0x9e: {  	[tilespmem:s13], [sflag:$0x3] =	stream.indirect_vreg.gather [hbm4b:s3+s2], $0x80, v5, vm0, $0xb8;
	[tilespmem:$0x18500] =	vst v63  }
0x9f: {  	v4 =	vperm.xlane v4, v3  }
0xa0: {  	[tilespmem:s14], [sflag:$0x3] =	stream.indirect_vreg.gather [hbm4b:s5+s2], $0x80, v5, vm0, $0xb8;
	[tilespmem:$0x18500] =	vst v63  }
0xa1: {  	v4 =	vadd.s32 v2, v4  }
0xa2: {  	[tilespmem:s15], [sflag:$0x3] =	stream.indirect_vreg.gather [hbm4b:s6+s2], $0x80, v5, vm0, $0xb8;
	[tilespmem:$0x18500] =	vst v63  }
0xa3: {  	_ = 	snop  }
0xa4: {  	[tilespmem:s16], [sflag:$0x3] =	stream.indirect_vreg.gather [hbm4b:s7+s2], $0x80, v5, vm0, $0xb8;
	[tilespmem:$0x18500] =	vst v63  }
0xa5: {  	_ = 	snop  }
0xa6: {  	[tilespmem:s17], [sflag:$0x3] =	stream.indirect_vreg.gather [hbm4b:s3+s2], $0x80, v4, vm0, $0xb8;
	[tilespmem:$0x18500] =	vst v63  }
0xa7: {  	_ = 	snop  }
0xa8: {  	[tilespmem:s18], [sflag:$0x3] =	stream.indirect_vreg.gather [hbm4b:s5+s2], $0x80, v4, vm0, $0xb8;
	[tilespmem:$0x18500] =	vst v63  }
0xa9: {  	_ = 	snop  }
0xaa: {  	[tilespmem:s24], [sflag:$0x3] =	stream.indirect_vreg.gather [hbm4b:s6+s2], $0x80, v4, vm0, $0xb8;
	[tilespmem:$0x18500] =	vst v63  }
0xab: {  	_ = 	snop  }
0xac: {  	[tilespmem:s28], [sflag:$0x3] =	stream.indirect_vreg.gather [hbm4b:s7+s2], $0x80, v4, vm0, $0xb8;
	[tilespmem:$0x18500] =	vst v63  }
0xad: {  	_ =	swait.ge [sflag:s19], $0x8000  }
0xae: {  	[sflag:s19] =	ssyncset.done $0x0  }
0xaf: {  	s0 =	rddreg [dreg:$0xb];
	[sflag:s19] =	ssyncadd.s32 $0xFFFF8000  }
0xb0: {  	[hbm4b:s0+s2] =	stream.linear.scatter [tilespmem:s26], [sflag:$0x4], $0x8000, $0x38;
	[tilespmem:$0x18500] =	vst v63  }
0xb1: {  	_ =	swait.ge [sflag:s20], $0x8000  }
0xb2: {  	[sflag:s20] =	ssyncset.done $0x0  }
0xb3: {  	[sflag:s20] =	ssyncadd.s32 $0xFFFF8000  }
0xb4: {  	v4 =	vld [tilespmem:$0x280];
	_ =	sdelay $0x4  }
0xb5: {  	v5 =	vshll.u32 v4, $0x3  }
0xb6: {  	v4 =	vand.u32 $0x7, v4;
	v5 =	vand.u32 $0xFFFFFFC0, v5  }
0xb7: {  	v4 =	vor.u32 v4, v5  }
0xb8: {  	v5 =	vperm.xlane v4, v1;
	_ =	sdelay $0x1  }
0xb9: {  	v5 =	vadd.s32 v2, v5;
	_ =	sdelay $0x4  }
0xba: {  	[tilespmem:s26], [sflag:$0x1] =	stream.indirect_vreg.gather [hbm4b:s3+s2], $0x80, v5, vm0, $0xb8;
	[tilespmem:$0x18500] =	vst v63  }
0xbb: {  	s1 =	simm.s32 $0xD00;
	v4 =	vperm.xlane v4, v3  }
0xbc: {  	[tilespmem:s1], [sflag:$0x1] =	stream.indirect_vreg.gather [hbm4b:s5+s2], $0x80, v5, vm0, $0xb8;
	[tilespmem:$0x18500] =	vst v63  }
0xbd: {  	v4 =	vadd.s32 v2, v4;
	s1 =	simm.s32 $0x1500  }
0xbe: {  	[tilespmem:s1], [sflag:$0x1] =	stream.indirect_vreg.gather [hbm4b:s6+s2], $0x80, v5, vm0, $0xb8;
	[tilespmem:$0x18500] =	vst v63  }
0xbf: {  	s25 =	simm.s32 $0x1D00  }
0xc0: {  	[tilespmem:s25], [sflag:$0x1] =	stream.indirect_vreg.gather [hbm4b:s7+s2], $0x80, v5, vm0, $0xb8;
	[tilespmem:$0x18500] =	vst v63  }
0xc1: {  	s1 =	simm.s32 $0x2500  }
0xc2: {  	[tilespmem:s1], [sflag:$0x1] =	stream.indirect_vreg.gather [hbm4b:s3+s2], $0x80, v4, vm0, $0xb8;
	[tilespmem:$0x18500] =	vst v63  }
0xc3: {  	s25 =	simm.s32 $0x2D00  }
0xc4: {  	[tilespmem:s25], [sflag:$0x1] =	stream.indirect_vreg.gather [hbm4b:s5+s2], $0x80, v4, vm0, $0xb8;
	[tilespmem:$0x18500] =	vst v63  }
0xc5: {  	s1 =	simm.s32 $0x3500  }
0xc6: {  	[tilespmem:s1], [sflag:$0x1] =	stream.indirect_vreg.gather [hbm4b:s6+s2], $0x80, v4, vm0, $0xb8;
	[tilespmem:$0x18500] =	vst v63  }
0xc7: {  	s25 =	simm.s32 $0x3D00  }
0xc8: {  	[tilespmem:s25], [sflag:$0x1] =	stream.indirect_vreg.gather [hbm4b:s7+s2], $0x80, v4, vm0, $0xb8;
	[tilespmem:$0x18500] =	vst v63  }
0xc9: {  	v4 =	vld [tilespmem:$0x290];
	_ =	sdelay $0x4  }
0xca: {  	v5 =	vshll.u32 v4, $0x3  }
0xcb: {  	v4 =	vand.u32 $0x7, v4;
	v5 =	vand.u32 $0xFFFFFFC0, v5  }
0xcc: {  	v4 =	vor.u32 v4, v5  }
0xcd: {  	v5 =	vperm.xlane v4, v1;
	_ =	sdelay $0x1  }
0xce: {  	v5 =	vadd.s32 v2, v5;
	_ =	sdelay $0x3  }
0xcf: {  	s1 =	simm.s32 $0x4500  }
0xd0: {  	[tilespmem:s1], [sflag:$0x1] =	stream.indirect_vreg.gather [hbm4b:s3+s2], $0x80, v5, vm0, $0xb8;
	[tilespmem:$0x18500] =	vst v63  }
0xd1: {  	s25 =	simm.s32 $0x4D00;
	v4 =	vperm.xlane v4, v3  }
0xd2: {  	[tilespmem:s25], [sflag:$0x1] =	stream.indirect_vreg.gather [hbm4b:s5+s2], $0x80, v5, vm0, $0xb8;
	[tilespmem:$0x18500] =	vst v63  }
0xd3: {  	v4 =	vadd.s32 v2, v4;
	s1 =	simm.s32 $0x5500  }
0xd4: {  	[tilespmem:s1], [sflag:$0x1] =	stream.indirect_vreg.gather [hbm4b:s6+s2], $0x80, v5, vm0, $0xb8;
	[tilespmem:$0x18500] =	vst v63  }
0xd5: {  	s25 =	simm.s32 $0x5D00  }
0xd6: {  	[tilespmem:s25], [sflag:$0x1] =	stream.indirect_vreg.gather [hbm4b:s7+s2], $0x80, v5, vm0, $0xb8;
	[tilespmem:$0x18500] =	vst v63  }
0xd7: {  	s1 =	simm.s32 $0x6500  }
0xd8: {  	[tilespmem:s1], [sflag:$0x1] =	stream.indirect_vreg.gather [hbm4b:s3+s2], $0x80, v4, vm0, $0xb8;
	[tilespmem:$0x18500] =	vst v63  }
0xd9: {  	s25 =	simm.s32 $0x6D00  }
0xda: {  	[tilespmem:s25], [sflag:$0x1] =	stream.indirect_vreg.gather [hbm4b:s5+s2], $0x80, v4, vm0, $0xb8;
	[tilespmem:$0x18500] =	vst v63  }
0xdb: {  	s1 =	simm.s32 $0x7500  }
0xdc: {  	[tilespmem:s1], [sflag:$0x1] =	stream.indirect_vreg.gather [hbm4b:s6+s2], $0x80, v4, vm0, $0xb8;
	[tilespmem:$0x18500] =	vst v63  }
0xdd: {  	s25 =	simm.s32 $0x7D00  }
0xde: {  	[tilespmem:s25], [sflag:$0x1] =	stream.indirect_vreg.gather [hbm4b:s7+s2], $0x80, v4, vm0, $0xb8;
	[tilespmem:$0x18500] =	vst v63  }
0xdf: {  	_ =	swait.ge [sflag:s21], $0x8000  }
0xe0: {  	[sflag:s21] =	ssyncset.done $0x0  }
0xe1: {  	s1 =	rddreg [dreg:$0x4];
	[sflag:s21] =	ssyncadd.s32 $0xFFFF8000  }
0xe2: {  	[hbm4b:s1+s2] =	stream.linear.scatter [tilespmem:s23], [sflag:$0x5], $0x8000, $0x38;
	[tilespmem:$0x18500] =	vst v63  }
0xe3: {  	_ =	swait.ge [sflag:s22], $0x8000  }
0xe4: {  	[sflag:s22] =	ssyncset.done $0x0  }
0xe5: {  	[sflag:s22] =	ssyncadd.s32 $0xFFFF8000  }
0xe6: {  	v4 =	vld [tilespmem:$0x300];
	_ =	sdelay $0x4  }
0xe7: {  	v5 =	vshll.u32 v4, $0x3  }
0xe8: {  	v4 =	vand.u32 $0x7, v4;
	v5 =	vand.u32 $0xFFFFFFC0, v5  }
0xe9: {  	v4 =	vor.u32 v4, v5  }
0xea: {  	v5 =	vperm.xlane v4, v1;
	_ =	sdelay $0x1  }
0xeb: {  	v5 =	vadd.s32 v2, v5;
	_ =	sdelay $0x4  }
0xec: {  	[tilespmem:s23], [sflag:$0x2] =	stream.indirect_vreg.gather [hbm4b:s3+s2], $0x80, v5, vm0, $0xb8;
	[tilespmem:$0x18500] =	vst v63  }
0xed: {  	s25 =	simm.s32 $0x8D00;
	v4 =	vperm.xlane v4, v3  }
0xee: {  	[tilespmem:s25], [sflag:$0x2] =	stream.indirect_vreg.gather [hbm4b:s5+s2], $0x80, v5, vm0, $0xb8;
	[tilespmem:$0x18500] =	vst v63  }
0xef: {  	s1 =	simm.s32 $0x9500;
	v4 =	vadd.s32 v2, v4  }
0xf0: {  	[tilespmem:s1], [sflag:$0x2] =	stream.indirect_vreg.gather [hbm4b:s6+s2], $0x80, v5, vm0, $0xb8;
	[tilespmem:$0x18500] =	vst v63  }
0xf1: {  	s25 =	simm.s32 $0x9D00  }
0xf2: {  	[tilespmem:s25], [sflag:$0x2] =	stream.indirect_vreg.gather [hbm4b:s7+s2], $0x80, v5, vm0, $0xb8;
	[tilespmem:$0x18500] =	vst v63  }
0xf3: {  	s1 =	simm.s32 $0xA500  }
0xf4: {  	[tilespmem:s1], [sflag:$0x2] =	stream.indirect_vreg.gather [hbm4b:s3+s2], $0x80, v4, vm0, $0xb8;
	[tilespmem:$0x18500] =	vst v63  }
0xf5: {  	s25 =	simm.s32 $0xAD00  }
0xf6: {  	[tilespmem:s25], [sflag:$0x2] =	stream.indirect_vreg.gather [hbm4b:s5+s2], $0x80, v4, vm0, $0xb8;
	[tilespmem:$0x18500] =	vst v63  }
0xf7: {  	s1 =	simm.s32 $0xB500  }
0xf8: {  	[tilespmem:s1], [sflag:$0x2] =	stream.indirect_vreg.gather [hbm4b:s6+s2], $0x80, v4, vm0, $0xb8;
	[tilespmem:$0x18500] =	vst v63  }
0xf9: {  	s25 =	simm.s32 $0xBD00  }
0xfa: {  	[tilespmem:s25], [sflag:$0x2] =	stream.indirect_vreg.gather [hbm4b:s7+s2], $0x80, v4, vm0, $0xb8;
	[tilespmem:$0x18500] =	vst v63  }
0xfb: {  	v4 =	vld [tilespmem:$0x310];
	_ =	sdelay $0x4  }
0xfc: {  	v5 =	vshll.u32 v4, $0x3  }
0xfd: {  	v4 =	vand.u32 $0x7, v4;
	v5 =	vand.u32 $0xFFFFFFC0, v5  }
0xfe: {  	v4 =	vor.u32 v4, v5  }
0xff: {  	v5 =	vperm.xlane v4, v1;
	_ =	sdelay $0x1  }
0x100: {  	v5 =	vadd.s32 v2, v5;
	_ =	sdelay $0x3  }
0x101: {  	s1 =	simm.s32 $0xC500  }
0x102: {  	[tilespmem:s1], [sflag:$0x2] =	stream.indirect_vreg.gather [hbm4b:s3+s2], $0x80, v5, vm0, $0xb8;
	[tilespmem:$0x18500] =	vst v63  }
0x103: {  	s25 =	simm.s32 $0xCD00;
	v4 =	vperm.xlane v4, v3  }
0x104: {  	[tilespmem:s25], [sflag:$0x2] =	stream.indirect_vreg.gather [hbm4b:s5+s2], $0x80, v5, vm0, $0xb8;
	[tilespmem:$0x18500] =	vst v63  }
0x105: {  	v4 =	vadd.s32 v2, v4;
	s1 =	simm.s32 $0xD500  }
0x106: {  	[tilespmem:s1], [sflag:$0x2] =	stream.indirect_vreg.gather [hbm4b:s6+s2], $0x80, v5, vm0, $0xb8;
	[tilespmem:$0x18500] =	vst v63  }
0x107: {  	s25 =	simm.s32 $0xDD00  }
0x108: {  	[tilespmem:s25], [sflag:$0x2] =	stream.indirect_vreg.gather [hbm4b:s7+s2], $0x80, v5, vm0, $0xb8;
	[tilespmem:$0x18500] =	vst v63  }
0x109: {  	s1 =	simm.s32 $0xE500  }
0x10a: {  	[tilespmem:s1], [sflag:$0x2] =	stream.indirect_vreg.gather [hbm4b:s3+s2], $0x80, v4, vm0, $0xb8;
	[tilespmem:$0x18500] =	vst v63  }
0x10b: {  	s25 =	simm.s32 $0xED00  }
0x10c: {  	[tilespmem:s25], [sflag:$0x2] =	stream.indirect_vreg.gather [hbm4b:s5+s2], $0x80, v4, vm0, $0xb8;
	[tilespmem:$0x18500] =	vst v63  }
0x10d: {  	s1 =	simm.s32 $0xF500  }
0x10e: {  	[tilespmem:s1], [sflag:$0x2] =	stream.indirect_vreg.gather [hbm4b:s6+s2], $0x80, v4, vm0, $0xb8;
	[tilespmem:$0x18500] =	vst v63  }
0x10f: {  	s0 =	simm.s32 $0x3;
	s25 =	simm.s32 $0xFD00  }
0x110: {  	[tilespmem:s25], [sflag:$0x2] =	stream.indirect_vreg.gather [hbm4b:s7+s2], $0x80, v4, vm0, $0xb8;
	[tilespmem:$0x18500] =	vst v63  }
0x111: {  	_ =	swait.ge [sflag:s0], $0x8000  }
0x112: {  	[sflag:s0] =	ssyncset.done $0x0  }
0x113: {  	s1 =	rddreg [dreg:$0x5];
	[sflag:s0] =	ssyncadd.s32 $0xFFFF8000  }
0x114: {  	[hbm4b:s1+s2] =	stream.linear.scatter [tilespmem:s31], [sflag:$0x6], $0x8000, $0x38;
	[tilespmem:$0x18500] =	vst v63  }
0x115: {  	s1 =	simm.s32 $0x6  }
0x116: {  	_ =	swait.ge [sflag:s1], $0x8000  }
0x117: {  	[sflag:s1] =	ssyncset.done $0x0  }
0x118: {  	[sflag:s1] =	ssyncadd.s32 $0xFFFF8000  }
0x119: {  	v4 =	vld [tilespmem:$0x380];
	_ =	sdelay $0x4  }
0x11a: {  	v5 =	vshll.u32 v4, $0x3  }
0x11b: {  	v4 =	vand.u32 $0x7, v4;
	v5 =	vand.u32 $0xFFFFFFC0, v5  }
0x11c: {  	v4 =	vor.u32 v4, v5  }
0x11d: {  	v5 =	vperm.xlane v4, v1;
	_ =	sdelay $0x1  }
0x11e: {  	v5 =	vadd.s32 v2, v5;
	_ =	sdelay $0x4  }
0x11f: {  	[tilespmem:s31], [sflag:$0x3] =	stream.indirect_vreg.gather [hbm4b:s3+s2], $0x80, v5, vm0, $0xb8;
	[tilespmem:$0x18500] =	vst v63  }
0x120: {  	v4 =	vperm.xlane v4, v3  }
0x121: {  	[tilespmem:s29], [sflag:$0x3] =	stream.indirect_vreg.gather [hbm4b:s5+s2], $0x80, v5, vm0, $0xb8;
	[tilespmem:$0x18500] =	vst v63  }
0x122: {  	v4 =	vadd.s32 v2, v4  }
0x123: {  	[tilespmem:s30], [sflag:$0x3] =	stream.indirect_vreg.gather [hbm4b:s6+s2], $0x80, v5, vm0, $0xb8;
	[tilespmem:$0x18500] =	vst v63  }
0x124: {  	_ = 	snop  }
0x125: {  	[tilespmem:s4], [sflag:$0x3] =	stream.indirect_vreg.gather [hbm4b:s7+s2], $0x80, v5, vm0, $0xb8;
	[tilespmem:$0x18500] =	vst v63  }
0x126: {  	_ = 	snop  }
0x127: {  	[tilespmem:s9], [sflag:$0x3] =	stream.indirect_vreg.gather [hbm4b:s3+s2], $0x80, v4, vm0, $0xb8;
	[tilespmem:$0x18500] =	vst v63  }
0x128: {  	_ = 	snop  }
0x129: {  	[tilespmem:s10], [sflag:$0x3] =	stream.indirect_vreg.gather [hbm4b:s5+s2], $0x80, v4, vm0, $0xb8;
	[tilespmem:$0x18500] =	vst v63  }
0x12a: {  	_ = 	snop  }
0x12b: {  	[tilespmem:s11], [sflag:$0x3] =	stream.indirect_vreg.gather [hbm4b:s6+s2], $0x80, v4, vm0, $0xb8;
	[tilespmem:$0x18500] =	vst v63  }
0x12c: {  	_ = 	snop  }
0x12d: {  	[tilespmem:s12], [sflag:$0x3] =	stream.indirect_vreg.gather [hbm4b:s7+s2], $0x80, v4, vm0, $0xb8;
	[tilespmem:$0x18500] =	vst v63  }
0x12e: {  	v4 =	vld [tilespmem:$0x390];
	_ =	sdelay $0x4  }
0x12f: {  	v5 =	vshll.u32 v4, $0x3  }
0x130: {  	v4 =	vand.u32 $0x7, v4;
	v5 =	vand.u32 $0xFFFFFFC0, v5  }
0x131: {  	v4 =	vor.u32 v4, v5  }
0x132: {  	v5 =	vperm.xlane v4, v1;
	_ =	sdelay $0x1  }
0x133: {  	v5 =	vadd.s32 v2, v5;
	_ =	sdelay $0x4  }
0x134: {  	[tilespmem:s13], [sflag:$0x3] =	stream.indirect_vreg.gather [hbm4b:s3+s2], $0x80, v5, vm0, $0xb8;
	[tilespmem:$0x18500] =	vst v63  }
0x135: {  	v4 =	vperm.xlane v4, v3  }
0x136: {  	[tilespmem:s14], [sflag:$0x3] =	stream.indirect_vreg.gather [hbm4b:s5+s2], $0x80, v5, vm0, $0xb8;
	[tilespmem:$0x18500] =	vst v63  }
0x137: {  	v4 =	vadd.s32 v2, v4  }
0x138: {  	[tilespmem:s15], [sflag:$0x3] =	stream.indirect_vreg.gather [hbm4b:s6+s2], $0x80, v5, vm0, $0xb8;
	[tilespmem:$0x18500] =	vst v63  }
0x139: {  	_ = 	snop  }
0x13a: {  	[tilespmem:s16], [sflag:$0x3] =	stream.indirect_vreg.gather [hbm4b:s7+s2], $0x80, v5, vm0, $0xb8;
	[tilespmem:$0x18500] =	vst v63  }
0x13b: {  	_ = 	snop  }
0x13c: {  	[tilespmem:s17], [sflag:$0x3] =	stream.indirect_vreg.gather [hbm4b:s3+s2], $0x80, v4, vm0, $0xb8;
	[tilespmem:$0x18500] =	vst v63  }
0x13d: {  	_ = 	snop  }
0x13e: {  	[tilespmem:s18], [sflag:$0x3] =	stream.indirect_vreg.gather [hbm4b:s5+s2], $0x80, v4, vm0, $0xb8;
	[tilespmem:$0x18500] =	vst v63  }
0x13f: {  	_ = 	snop  }
0x140: {  	[tilespmem:s24], [sflag:$0x3] =	stream.indirect_vreg.gather [hbm4b:s6+s2], $0x80, v4, vm0, $0xb8;
	[tilespmem:$0x18500] =	vst v63  }
0x141: {  	_ = 	snop  }
0x142: {  	[tilespmem:s28], [sflag:$0x3] =	stream.indirect_vreg.gather [hbm4b:s7+s2], $0x80, v4, vm0, $0xb8;
	[tilespmem:$0x18500] =	vst v63  }
0x143: {  	_ =	swait.ge [sflag:s19], $0x8000  }
0x144: {  	[sflag:s19] =	ssyncset.done $0x0  }
0x145: {  	s4 =	rddreg [dreg:$0x6];
	[sflag:s19] =	ssyncadd.s32 $0xFFFF8000  }
0x146: {  	[hbm4b:s4+s2] =	stream.linear.scatter [tilespmem:s26], [sflag:$0x4], $0x8000, $0x38;
	[tilespmem:$0x18500] =	vst v63  }
0x147: {  	_ =	swait.ge [sflag:s20], $0x8000  }
0x148: {  	[sflag:s20] =	ssyncset.done $0x0  }
0x149: {  	[sflag:s20] =	ssyncadd.s32 $0xFFFF8000  }
0x14a: {  	v4 =	vld [tilespmem:$0x400];
	_ =	sdelay $0x4  }
0x14b: {  	v5 =	vshll.u32 v4, $0x3  }
0x14c: {  	v4 =	vand.u32 $0x7, v4;
	v5 =	vand.u32 $0xFFFFFFC0, v5  }
0x14d: {  	v4 =	vor.u32 v4, v5  }
0x14e: {  	v5 =	vperm.xlane v4, v1;
	_ =	sdelay $0x1  }
0x14f: {  	v5 =	vadd.s32 v2, v5;
	_ =	sdelay $0x4  }
0x150: {  	[tilespmem:s26], [sflag:$0x1] =	stream.indirect_vreg.gather [hbm4b:s3+s2], $0x80, v5, vm0, $0xb8;
	[tilespmem:$0x18500] =	vst v63  }
0x151: {  	s25 =	simm.s32 $0xD00;
	v4 =	vperm.xlane v4, v3  }
0x152: {  	[tilespmem:s25], [sflag:$0x1] =	stream.indirect_vreg.gather [hbm4b:s5+s2], $0x80, v5, vm0, $0xb8;
	[tilespmem:$0x18500] =	vst v63  }
0x153: {  	v4 =	vadd.s32 v2, v4;
	s25 =	simm.s32 $0x1500  }
0x154: {  	[tilespmem:s25], [sflag:$0x1] =	stream.indirect_vreg.gather [hbm4b:s6+s2], $0x80, v5, vm0, $0xb8;
	[tilespmem:$0x18500] =	vst v63  }
0x155: {  	s25 =	simm.s32 $0x1D00  }
0x156: {  	[tilespmem:s25], [sflag:$0x1] =	stream.indirect_vreg.gather [hbm4b:s7+s2], $0x80, v5, vm0, $0xb8;
	[tilespmem:$0x18500] =	vst v63  }
0x157: {  	s25 =	simm.s32 $0x2500  }
0x158: {  	[tilespmem:s25], [sflag:$0x1] =	stream.indirect_vreg.gather [hbm4b:s3+s2], $0x80, v4, vm0, $0xb8;
	[tilespmem:$0x18500] =	vst v63  }
0x159: {  	s25 =	simm.s32 $0x2D00  }
0x15a: {  	[tilespmem:s25], [sflag:$0x1] =	stream.indirect_vreg.gather [hbm4b:s5+s2], $0x80, v4, vm0, $0xb8;
	[tilespmem:$0x18500] =	vst v63  }
0x15b: {  	s25 =	simm.s32 $0x3500  }
0x15c: {  	[tilespmem:s25], [sflag:$0x1] =	stream.indirect_vreg.gather [hbm4b:s6+s2], $0x80, v4, vm0, $0xb8;
	[tilespmem:$0x18500] =	vst v63  }
0x15d: {  	s25 =	simm.s32 $0x3D00  }
0x15e: {  	[tilespmem:s25], [sflag:$0x1] =	stream.indirect_vreg.gather [hbm4b:s7+s2], $0x80, v4, vm0, $0xb8;
	[tilespmem:$0x18500] =	vst v63  }
0x15f: {  	v4 =	vld [tilespmem:$0x410];
	_ =	sdelay $0x4  }
0x160: {  	v5 =	vshll.u32 v4, $0x3  }
0x161: {  	v4 =	vand.u32 $0x7, v4;
	v5 =	vand.u32 $0xFFFFFFC0, v5  }
0x162: {  	v4 =	vor.u32 v4, v5  }
0x163: {  	v5 =	vperm.xlane v4, v1;
	_ =	sdelay $0x1  }
0x164: {  	v5 =	vadd.s32 v2, v5;
	_ =	sdelay $0x3  }
0x165: {  	s25 =	simm.s32 $0x4500  }
0x166: {  	[tilespmem:s25], [sflag:$0x1] =	stream.indirect_vreg.gather [hbm4b:s3+s2], $0x80, v5, vm0, $0xb8;
	[tilespmem:$0x18500] =	vst v63  }
0x167: {  	v4 =	vperm.xlane v4, v3;
	s25 =	simm.s32 $0x4D00  }
0x168: {  	[tilespmem:s25], [sflag:$0x1] =	stream.indirect_vreg.gather [hbm4b:s5+s2], $0x80, v5, vm0, $0xb8;
	[tilespmem:$0x18500] =	vst v63  }
0x169: {  	v4 =	vadd.s32 v2, v4;
	s25 =	simm.s32 $0x5500  }
0x16a: {  	[tilespmem:s25], [sflag:$0x1] =	stream.indirect_vreg.gather [hbm4b:s6+s2], $0x80, v5, vm0, $0xb8;
	[tilespmem:$0x18500] =	vst v63  }
0x16b: {  	s25 =	simm.s32 $0x5D00  }
0x16c: {  	[tilespmem:s25], [sflag:$0x1] =	stream.indirect_vreg.gather [hbm4b:s7+s2], $0x80, v5, vm0, $0xb8;
	[tilespmem:$0x18500] =	vst v63  }
0x16d: {  	s25 =	simm.s32 $0x6500  }
0x16e: {  	[tilespmem:s25], [sflag:$0x1] =	stream.indirect_vreg.gather [hbm4b:s3+s2], $0x80, v4, vm0, $0xb8;
	[tilespmem:$0x18500] =	vst v63  }
0x16f: {  	s25 =	simm.s32 $0x6D00  }
0x170: {  	[tilespmem:s25], [sflag:$0x1] =	stream.indirect_vreg.gather [hbm4b:s5+s2], $0x80, v4, vm0, $0xb8;
	[tilespmem:$0x18500] =	vst v63  }
0x171: {  	s25 =	simm.s32 $0x7500  }
0x172: {  	[tilespmem:s25], [sflag:$0x1] =	stream.indirect_vreg.gather [hbm4b:s6+s2], $0x80, v4, vm0, $0xb8;
	[tilespmem:$0x18500] =	vst v63  }
0x173: {  	s25 =	simm.s32 $0x7D00  }
0x174: {  	[tilespmem:s25], [sflag:$0x1] =	stream.indirect_vreg.gather [hbm4b:s7+s2], $0x80, v4, vm0, $0xb8;
	[tilespmem:$0x18500] =	vst v63  }
0x175: {  	_ =	swait.ge [sflag:s21], $0x8000  }
0x176: {  	[sflag:s21] =	ssyncset.done $0x0  }
0x177: {  	s4 =	rddreg [dreg:$0x7];
	[sflag:s21] =	ssyncadd.s32 $0xFFFF8000  }
0x178: {  	[hbm4b:s4+s2] =	stream.linear.scatter [tilespmem:s23], [sflag:$0x5], $0x8000, $0x38;
	[tilespmem:$0x18500] =	vst v63  }
0x179: {  	_ =	swait.ge [sflag:s22], $0x8000  }
0x17a: {  	[sflag:s22] =	ssyncset.done $0x0  }
0x17b: {  	[sflag:s22] =	ssyncadd.s32 $0xFFFF8000  }
0x17c: {  	v4 =	vld [tilespmem:$0x480];
	_ =	sdelay $0x4  }
0x17d: {  	v5 =	vshll.u32 v4, $0x3  }
0x17e: {  	v4 =	vand.u32 $0x7, v4;
	v5 =	vand.u32 $0xFFFFFFC0, v5  }
0x17f: {  	v4 =	vor.u32 v4, v5  }
0x180: {  	v5 =	vperm.xlane v4, v1;
	_ =	sdelay $0x1  }
0x181: {  	v5 =	vadd.s32 v2, v5;
	_ =	sdelay $0x4  }
0x182: {  	[tilespmem:s23], [sflag:$0x2] =	stream.indirect_vreg.gather [hbm4b:s3+s2], $0x80, v5, vm0, $0xb8;
	[tilespmem:$0x18500] =	vst v63  }
0x183: {  	s25 =	simm.s32 $0x8D00;
	v4 =	vperm.xlane v4, v3  }
0x184: {  	[tilespmem:s25], [sflag:$0x2] =	stream.indirect_vreg.gather [hbm4b:s5+s2], $0x80, v5, vm0, $0xb8;
	[tilespmem:$0x18500] =	vst v63  }
0x185: {  	v4 =	vadd.s32 v2, v4;
	s25 =	simm.s32 $0x9500  }
0x186: {  	[tilespmem:s25], [sflag:$0x2] =	stream.indirect_vreg.gather [hbm4b:s6+s2], $0x80, v5, vm0, $0xb8;
	[tilespmem:$0x18500] =	vst v63  }
0x187: {  	s25 =	simm.s32 $0x9D00  }
0x188: {  	[tilespmem:s25], [sflag:$0x2] =	stream.indirect_vreg.gather [hbm4b:s7+s2], $0x80, v5, vm0, $0xb8;
	[tilespmem:$0x18500] =	vst v63  }
0x189: {  	s25 =	simm.s32 $0xA500  }
0x18a: {  	[tilespmem:s25], [sflag:$0x2] =	stream.indirect_vreg.gather [hbm4b:s3+s2], $0x80, v4, vm0, $0xb8;
	[tilespmem:$0x18500] =	vst v63  }
0x18b: {  	s25 =	simm.s32 $0xAD00  }
0x18c: {  	[tilespmem:s25], [sflag:$0x2] =	stream.indirect_vreg.gather [hbm4b:s5+s2], $0x80, v4, vm0, $0xb8;
	[tilespmem:$0x18500] =	vst v63  }
0x18d: {  	s25 =	simm.s32 $0xB500  }
0x18e: {  	[tilespmem:s25], [sflag:$0x2] =	stream.indirect_vreg.gather [hbm4b:s6+s2], $0x80, v4, vm0, $0xb8;
	[tilespmem:$0x18500] =	vst v63  }
0x18f: {  	s25 =	simm.s32 $0xBD00  }
0x190: {  	[tilespmem:s25], [sflag:$0x2] =	stream.indirect_vreg.gather [hbm4b:s7+s2], $0x80, v4, vm0, $0xb8;
	[tilespmem:$0x18500] =	vst v63  }
0x191: {  	v4 =	vld [tilespmem:$0x490];
	_ =	sdelay $0x4  }
0x192: {  	v5 =	vshll.u32 v4, $0x3  }
0x193: {  	v4 =	vand.u32 $0x7, v4;
	v5 =	vand.u32 $0xFFFFFFC0, v5  }
0x194: {  	v4 =	vor.u32 v4, v5  }
0x195: {  	v5 =	vperm.xlane v4, v1;
	_ =	sdelay $0x1  }
0x196: {  	v5 =	vadd.s32 v2, v5;
	_ =	sdelay $0x3  }
0x197: {  	s25 =	simm.s32 $0xC500  }
0x198: {  	[tilespmem:s25], [sflag:$0x2] =	stream.indirect_vreg.gather [hbm4b:s3+s2], $0x80, v5, vm0, $0xb8;
	[tilespmem:$0x18500] =	vst v63  }
0x199: {  	v4 =	vperm.xlane v4, v3;
	s25 =	simm.s32 $0xCD00  }
0x19a: {  	[tilespmem:s25], [sflag:$0x2] =	stream.indirect_vreg.gather [hbm4b:s5+s2], $0x80, v5, vm0, $0xb8;
	[tilespmem:$0x18500] =	vst v63  }
0x19b: {  	v4 =	vadd.s32 v2, v4;
	s25 =	simm.s32 $0xD500  }
0x19c: {  	[tilespmem:s25], [sflag:$0x2] =	stream.indirect_vreg.gather [hbm4b:s6+s2], $0x80, v5, vm0, $0xb8;
	[tilespmem:$0x18500] =	vst v63  }
0x19d: {  	s25 =	simm.s32 $0xDD00  }
0x19e: {  	[tilespmem:s25], [sflag:$0x2] =	stream.indirect_vreg.gather [hbm4b:s7+s2], $0x80, v5, vm0, $0xb8;
	[tilespmem:$0x18500] =	vst v63  }
0x19f: {  	s25 =	simm.s32 $0xE500  }
0x1a0: {  	[tilespmem:s25], [sflag:$0x2] =	stream.indirect_vreg.gather [hbm4b:s3+s2], $0x80, v4, vm0, $0xb8;
	[tilespmem:$0x18500] =	vst v63  }
0x1a1: {  	s25 =	simm.s32 $0xED00  }
0x1a2: {  	[tilespmem:s25], [sflag:$0x2] =	stream.indirect_vreg.gather [hbm4b:s5+s2], $0x80, v4, vm0, $0xb8;
	[tilespmem:$0x18500] =	vst v63  }
0x1a3: {  	s25 =	simm.s32 $0xF500  }
0x1a4: {  	[tilespmem:s25], [sflag:$0x2] =	stream.indirect_vreg.gather [hbm4b:s6+s2], $0x80, v4, vm0, $0xb8;
	[tilespmem:$0x18500] =	vst v63  }
0x1a5: {  	s25 =	simm.s32 $0xFD00  }
0x1a6: {  	[tilespmem:s25], [sflag:$0x2] =	stream.indirect_vreg.gather [hbm4b:s7+s2], $0x80, v4, vm0, $0xb8;
	[tilespmem:$0x18500] =	vst v63  }
0x1a7: {  	_ =	swait.ge [sflag:s0], $0x8000  }
0x1a8: {  	[sflag:s0] =	ssyncset.done $0x0  }
0x1a9: {  	s4 =	rddreg [dreg:$0x8];
	[sflag:s0] =	ssyncadd.s32 $0xFFFF8000  }
0x1aa: {  	[hbm4b:s4+s2] =	stream.linear.scatter [tilespmem:s31], [sflag:$0x6], $0x8000, $0x38;
	[tilespmem:$0x18500] =	vst v63  }
0x1ab: {  	_ =	swait.ge [sflag:s19], $0x8000  }
0x1ac: {  	[sflag:s19] =	ssyncset.done $0x0  }
0x1ad: {  	s0 =	rddreg [dreg:$0x9];
	[sflag:s19] =	ssyncadd.s32 $0xFFFF8000  }
0x1ae: {  	[hbm4b:s0+s2] =	stream.linear.scatter [tilespmem:s26], [sflag:$0x4], $0x8000, $0x38;
	[tilespmem:$0x18500] =	vst v63  }
0x1af: {  	_ =	swait.ge [sflag:s21], $0x8000  }
0x1b0: {  	[sflag:s21] =	ssyncset.done $0x0  }
0x1b1: {  	s4 =	rddreg [dreg:$0xa];
	[sflag:s21] =	ssyncadd.s32 $0xFFFF8000  }
0x1b2: {  	[hbm4b:s4+s2] =	stream.linear.scatter [tilespmem:s23], [sflag:$0x5], $0x8000, $0x38;
	[tilespmem:$0x18500] =	vst v63  }
0x1b3: {  	_ =	swait.ge [sflag:s1], $0x8000  }
0x1b4: {  	[sflag:s1] =	ssyncset.done $0x0  }
0x1b5: {  	[sflag:s1] =	ssyncadd.s32 $0xFFFF8000  }
0x1b6: {  	p0 =	sne.s32 s8, $0x1;
	_ =	swait.ge [sflag:s20], $0x8000  }
.Ltmp0:
0x1b7: {  	[sflag:s20] =	ssyncset.done $0x0;
	(pc) =	sbr.rel @p0 .LBB2_1-.Ltmp0, $4  }
0x1b8: {  	[sflag:s20] =	ssyncadd.s32 $0xFFFF8000  }
0x1b9: {  	_ =	swait.ge [sflag:s22], $0x8000  }
0x1ba: {  	[sflag:s22] =	ssyncset.done $0x0  }
0x1bb: {  	s8 =	sadd.s32 $0xFFFFFFFF, s8;
	[sflag:s22] =	ssyncadd.s32 $0xFFFF8000  }
0x1bc: {  	_ =	sfence.sel $0x180000  }
0x1bd: {  	[bflag:$0x0] =	sbarrier.arrive $0xFFFF  }
0x1be: {  	_ =	strace $0x90000047  }
0x1bf: {  	s0 =	stileid.u32;
	[bflag:$0x2] =	sbarrier.arrive $0xFFFF  }
0x1c0: {  	p0 =	sne.s32 s0, $0x0;
	s0 =	rddreg [dreg:$0x2]  }
0x1c1: {  	s0 =	sadd.s32 @!p0 $0x100000, s0  }
0x1c2: {  	[sflag:s0] =	ssyncadd.tile.s32 @!p0 $0x1;
	_ =	shalt  }
.Lfunc_end2:
_tile_overlayer_lowered:
.L_overlay_start_2:
0x1c3: {  	(tag) =	ssettag $0x2  }
0x1c4: {  	s0 =	rddreg [dreg:$0x0];
	s2 =	stileid.u32  }
0x1c5: {  	s1 =	rddreg [dreg:$0x1];
	p0 =	sne.s32 s2, $0x0  }
0x1c6: {  	s3 =	rddreg [dreg:$0x2];
	[bflag:$0x3] =	sbarrier.arrive $0xFFFF;
	s2 =	simm.s32 @!p0 $0x1C07  }
0x1c7: {  	[timem:s3], [sflag:s2] =	dma.local @!p0 [hbm:s0], s1  }
0x1c8: {  	s0 =	simm.s32 @!p0 $0x7  }
0x1c9: {  	_ =	swait.ge @!p0 [sflag:s0], s1  }
0x1ca: {  	s1 =	ssub.s32 @!p0 $0x0, s1;
	[sflag:s0] =	ssyncset.done @!p0 $0x0  }
0x1cb: {  	[sflag:s0] =	ssyncadd.s32 @!p0 s1  }
0x1cc: {  	[bflag:$0x3] =	sbarrier.arrive $0xFFFF  }
0x1cd: {  	_ =	shalt  }

</sc_bundles>
